<compile_context>
chip_gen: v7x
topology: tpu7x:2x2x1
jax: 0.10.2.dev20260603
libtpu: 0.0.44.dev20260713+nightly
codegen_flags: <defaults>
</compile_context>

<pallas_src>
import functools

import jax
import jax.numpy as jnp
from jax import lax
from jax.experimental import pallas as pl
from jax.experimental.pallas import tpu as pltpu
from jax.experimental.pallas import tpu_sc as plsc

VOCAB = 1000000
DIM = 64
BATCH = 16384
CTX_LEN = 20
NUM_NEG = 5

NC = 2
NS = 16
NW = NC * NS
LANES = 16
DV = DIM // LANES

B_PER_W = BATCH // NW
IDX_PER_CHUNK = 320
CHUNK_A = IDX_PER_CHUNK // CTX_LEN
N_CHUNK_A = B_PER_W // CHUNK_A
CHUNK_B = IDX_PER_CHUNK // NUM_NEG
N_CHUNK_B = B_PER_W // CHUNK_B

_GDN = lax.GatherDimensionNumbers(
    offset_dims=(), collapsed_slice_dims=(0,), start_index_map=(0,))


def _lane_shuffle(x, idx):
  return lax.gather(x, idx[:, None], _GDN, (1,),
                    mode=lax.GatherScatterMode.PROMISE_IN_BOUNDS)


def _sc_body(ctx_idx_hbm, neg_idx_hbm, wcat_hbm, out_hbm,
             ctx2d_v, neg2d_v, ctx_flat, neg_flat, rows_0, rows_1,
             mean_v, out_v, sem_0, sem_1):
  wid = lax.axis_index("s") * NC + lax.axis_index("c")
  b0 = wid * B_PER_W
  lane = lax.iota(jnp.int32, LANES)
  shuf_idx = [lane ^ s for s in (8, 4, 2, 1)]
  k_masks = [lane == k for k in range(NUM_NEG)]
  neg_mask = lane < NUM_NEG

  pltpu.sync_copy(ctx_idx_hbm.at[pl.ds(b0, B_PER_W), :], ctx2d_v)
  pltpu.sync_copy(neg_idx_hbm.at[pl.ds(b0, B_PER_W), :], neg2d_v)

  def flatten_body(b, _):
    base_c = b * CTX_LEN
    v0 = ctx2d_v[b, pl.ds(0, LANES)] * 2
    v1 = ctx2d_v[b, pl.ds(CTX_LEN - LANES, LANES)] * 2
    plsc.store_scatter(ctx_flat, [base_c + lane], v0)
    plsc.store_scatter(ctx_flat, [base_c + (CTX_LEN - LANES) + lane], v1)
    vn = plsc.load_gather(neg2d_v, [jnp.full((LANES,), b, jnp.int32), lane],
                          mask=neg_mask)
    plsc.store_scatter(neg_flat, [b * NUM_NEG + lane], vn * 2 + 1,
                       mask=neg_mask)
    return _

  lax.fori_loop(0, B_PER_W, flatten_body, 0, unroll=False)

  rows_bufs = (rows_0, rows_1)
  sems = (sem_0, sem_1)

  def fire_gather(idx_ref, chunk, buf):
    pltpu.async_copy(
        wcat_hbm.at[idx_ref.at[pl.ds(chunk * IDX_PER_CHUNK,
                                     IDX_PER_CHUNK)]],
        rows_bufs[buf], sems[buf])

  def wait_gather(buf):
    pltpu.make_async_copy(
        wcat_hbm.at[pl.ds(0, IDX_PER_CHUNK), :],
        rows_bufs[buf], sems[buf]).wait()

  def compute_mean(c, buf):
    rows = rows_bufs[buf]

    def mean_body(i, _):
      r = i * CTX_LEN
      accs = [rows[r, pl.ds(q * LANES, LANES)] for q in range(DV)]
      for j in range(1, CTX_LEN):
        for q in range(DV):
          accs[q] = accs[q] + rows[r + j, pl.ds(q * LANES, LANES)]
      b = c * CHUNK_A + i
      for q in range(DV):
        mean_v[b, pl.ds(q * LANES, LANES)] = accs[q] * (1.0 / CTX_LEN)
      return _

    lax.fori_loop(0, CHUNK_A, mean_body, 0, unroll=False)

  fire_gather(ctx_flat, 0, 0)

  def phase_a_pair(gp, _):
    c0 = 2 * gp
    fire_gather(ctx_flat, jnp.minimum(c0 + 1, N_CHUNK_A - 1), 1)
    wait_gather(0)
    compute_mean(c0, 0)
    fire_gather(ctx_flat, jnp.minimum(c0 + 2, N_CHUNK_A - 1), 0)
    wait_gather(1)
    compute_mean(c0 + 1, 1)
    return _

  lax.fori_loop(0, N_CHUNK_A // 2, phase_a_pair, 0, unroll=False)
  wait_gather(0)

  def compute_dots(c, buf):
    rows = rows_bufs[buf]

    def dot_body(i, _):
      b = c * CHUNK_B + i
      m = [mean_v[b, pl.ds(q * LANES, LANES)] for q in range(DV)]
      acc = jnp.zeros((LANES,), jnp.float32)
      for k in range(NUM_NEG):
        r = i * NUM_NEG + k
        p = rows[r, pl.ds(0, LANES)] * m[0]
        for q in range(1, DV):
          p = p + rows[r, pl.ds(q * LANES, LANES)] * m[q]
        for sidx in shuf_idx:
          p = p + _lane_shuffle(p, sidx)
        acc = jnp.where(k_masks[k], p, acc)
      plsc.store_scatter(out_v, [jnp.full((LANES,), i, jnp.int32), lane],
                         acc, mask=neg_mask)
      return _

    lax.fori_loop(0, CHUNK_B, dot_body, 0, unroll=False)
    pltpu.sync_copy(out_v,
                    out_hbm.at[pl.ds(b0 + c * CHUNK_B, CHUNK_B), :])

  fire_gather(neg_flat, 0, 0)

  def phase_b_pair(hp, _):
    c0 = 2 * hp
    fire_gather(neg_flat, jnp.minimum(c0 + 1, N_CHUNK_B - 1), 1)
    wait_gather(0)
    compute_dots(c0, 0)
    fire_gather(neg_flat, jnp.minimum(c0 + 2, N_CHUNK_B - 1), 0)
    wait_gather(1)
    compute_dots(c0 + 1, 1)
    return _

  lax.fori_loop(0, N_CHUNK_B // 2, phase_b_pair, 0, unroll=False)
  wait_gather(0)


@jax.jit
def _cbow_scores(ctx_idx, neg_idx, w_cat):
  mesh = plsc.VectorSubcoreMesh(
      core_axis_name="c", subcore_axis_name="s",
      num_cores=NC, num_subcores=NS)
  fn = pl.kernel(
      _sc_body,
      out_type=jax.ShapeDtypeStruct((BATCH, NUM_NEG), jnp.float32),
      mesh=mesh,
      compiler_params=pltpu.CompilerParams(use_tc_tiling_on_sc=False,
                                           needs_layout_passes=False),
      scratch_types=[
          pltpu.VMEM((B_PER_W, CTX_LEN), jnp.int32),
          pltpu.VMEM((B_PER_W, NUM_NEG), jnp.int32),
          pltpu.VMEM((B_PER_W * CTX_LEN,), jnp.int32),
          pltpu.VMEM((B_PER_W * NUM_NEG,), jnp.int32),
          pltpu.VMEM((IDX_PER_CHUNK, DIM), jnp.float32),
          pltpu.VMEM((IDX_PER_CHUNK, DIM), jnp.float32),
          pltpu.VMEM((B_PER_W, DIM), jnp.float32),
          pltpu.VMEM((CHUNK_B, NUM_NEG), jnp.float32),
          pltpu.SemaphoreType.DMA,
          pltpu.SemaphoreType.DMA,
      ],
  )
  return fn(ctx_idx, neg_idx, w_cat)


def kernel(context_words, negative_words, W_embed, W_context):
  w_cat = jnp.concatenate([W_embed, W_context], axis=1).reshape(
      2 * VOCAB, DIM)
  return _cbow_scores(context_words, negative_words, w_cat)

# --- scband reference (transcript-rebuilt; emitter-appended) ---
"""Pipeline reference for scband-cbow-negative-sampling-31714038514025 (READ-ONLY COPY).

The authoritative reference and input builder live on the scoring server;
editing this copy changes nothing except your own understanding.
"""

import jax, jax.numpy as jnp
import numpy as np

VOCAB = 1000000
DIM = 64
BATCH = 16384
CTX_LEN = 20
NUM_NEG = 5

def _xavier_uniform(key, shape):
    fan_in, fan_out = shape[0], shape[1]
    bound = float(np.sqrt(6.0 / (fan_in + fan_out)))
    return jax.random.uniform(key, shape, dtype=jnp.float32, minval=-bound, maxval=bound)

def setup_inputs(seed: int = 0) -> dict:
    key = jax.random.key(seed)
    k1, k2, k3, k4 = jax.random.split(key, 4)
    context_words = jax.random.randint(k1, (BATCH, CTX_LEN), 0, VOCAB, dtype=jnp.int32)
    negative_words = jax.random.randint(k2, (BATCH, NUM_NEG), 0, VOCAB, dtype=jnp.int32)
    W_embed = _xavier_uniform(k3, (VOCAB, DIM))
    W_context = _xavier_uniform(k4, (VOCAB, DIM))
    return {
        "context_words": context_words,
        "negative_words": negative_words,
        "W_embed": W_embed,
        "W_context": W_context,
    }

def reference(context_words, negative_words, W_embed, W_context):
    # context_embeds = self.embedding(context_words): [B, 2*ctx, D]
    context_embeds = jnp.take(W_embed, context_words, axis=0)
    # target_embeds = self.context_embedding(negative_words): [B, num_neg, D]
    target_embeds = jnp.take(W_context, negative_words, axis=0)
    # context_mean: [B, D]
    context_mean = jnp.mean(context_embeds, axis=1)
    # bmm(target_embeds, context_mean.unsqueeze(2)).squeeze(2): [B, num_neg]
    positive_score = jnp.einsum('bkd,bd->bk', target_embeds, context_mean)
    return positive_score

if __name__ == "__main__":
    import jax
    _d = setup_inputs()
    print(jax.jit(kernel)(*tuple(_d.values())))

</pallas_src>

<mosaic_0001>
#map = affine_map<(d0, d1) -> (0, 0)>
module attributes {stable_mosaic.version = 14 : i64} {
  func.func @_sc_body(%arg0: i32, %arg1: i32, %arg2: memref<16384x20xi32, #tpu.memory_space<hbm>>, %arg3: memref<16384x5xi32, #tpu.memory_space<hbm>>, %arg4: memref<2000000x64xf32, #tpu.memory_space<hbm>>, %arg5: memref<16384x5xf32, #tpu.memory_space<hbm>>, %arg6: memref<512x20xi32, #tpu.memory_space<vmem>>, %arg7: memref<512x5xi32, #tpu.memory_space<vmem>>, %arg8: memref<10240xi32, #tpu.memory_space<vmem>>, %arg9: memref<2560xi32, #tpu.memory_space<vmem>>, %arg10: memref<320x64xf32, #tpu.memory_space<vmem>>, %arg11: memref<320x64xf32, #tpu.memory_space<vmem>>, %arg12: memref<512x64xf32, #tpu.memory_space<vmem>>, %arg13: memref<64x5xf32, #tpu.memory_space<vmem>>, %arg14: memref<!tpu.dma_semaphore, #tpu.memory_space<semaphore_mem>>, %arg15: memref<!tpu.dma_semaphore, #tpu.memory_space<semaphore_mem>>) attributes {dimension_semantics = [#tpu.dimension_semantics<core_parallel>, #tpu.dimension_semantics<subcore_parallel>], iteration_bounds = array<i64: 2, 16>, scalar_prefetch = 0 : i64, scratch_operands = 10 : i64, tpu.core_type = #tpu.core_type<sc_vector_subcore>, window_params = [{transform_indices = #map}, {transform_indices = #map}, {transform_indices = #map}, {transform_indices = #map}]} {
    %mul3A = arith.constant 2 : i32
    %mul3A_0 = arith.muli %arg1, %mul3A : i32
    %add3A = arith.addi %mul3A_0, %arg0 : i32
    %mul3A_1 = arith.constant 512 : i32
    %mul3A_2 = arith.muli %add3A, %mul3A_1 : i32
    %iota3A = tpu.iota {dimensions = array<i32: 0>} : vector<16xi32>
    %xor3A = arith.constant 8 : i32
    %xor3A_3 = vector.broadcast %xor3A : i32 to vector<16xi32>
    %xor3A_4 = arith.xori %iota3A, %xor3A_3 : vector<16xi32>
    %xor3A_5 = arith.constant 4 : i32
    %xor3A_6 = vector.broadcast %xor3A_5 : i32 to vector<16xi32>
    %xor3A_7 = arith.xori %iota3A, %xor3A_6 : vector<16xi32>
    %xor3A_8 = arith.constant 2 : i32
    %xor3A_9 = vector.broadcast %xor3A_8 : i32 to vector<16xi32>
    %xor3A_10 = arith.xori %iota3A, %xor3A_9 : vector<16xi32>
    %xor3A_11 = arith.constant 1 : i32
    %xor3A_12 = vector.broadcast %xor3A_11 : i32 to vector<16xi32>
    %xor3A_13 = arith.xori %iota3A, %xor3A_12 : vector<16xi32>
    %eq3A = arith.constant 0 : i32
    %eq3A_14 = vector.broadcast %eq3A : i32 to vector<16xi32>
    %eq3A_15 = arith.cmpi eq, %iota3A, %eq3A_14 : vector<16xi32>
    %eq3A_16 = arith.constant 1 : i32
    %eq3A_17 = vector.broadcast %eq3A_16 : i32 to vector<16xi32>
    %eq3A_18 = arith.cmpi eq, %iota3A, %eq3A_17 : vector<16xi32>
    %eq3A_19 = arith.constant 2 : i32
    %eq3A_20 = vector.broadcast %eq3A_19 : i32 to vector<16xi32>
    %eq3A_21 = arith.cmpi eq, %iota3A, %eq3A_20 : vector<16xi32>
    %eq3A_22 = arith.constant 3 : i32
    %eq3A_23 = vector.broadcast %eq3A_22 : i32 to vector<16xi32>
    %eq3A_24 = arith.cmpi eq, %iota3A, %eq3A_23 : vector<16xi32>
    %eq3A_25 = arith.constant 4 : i32
    %eq3A_26 = vector.broadcast %eq3A_25 : i32 to vector<16xi32>
    %eq3A_27 = arith.cmpi eq, %iota3A, %eq3A_26 : vector<16xi32>
    %lt3A = arith.constant 5 : i32
    %lt3A_28 = vector.broadcast %lt3A : i32 to vector<16xi32>
    %lt3A_29 = arith.cmpi slt, %iota3A, %lt3A_28 : vector<16xi32>
    "tpu.region"() ({
      %run_scoped3A = tpu.sem_alloc : memref<!tpu.dma_semaphore, #tpu.memory_space<semaphore_mem>>
      %dma_start3A_67 = arith.constant 0 : i32
      %dma_start3A_68 = tpu.memref_slice %arg2[%mul3A_2, %dma_start3A_67] : memref<16384x20xi32, #tpu.memory_space<hbm>> -> memref<512x20xi32, #tpu.memory_space<hbm>>
      %dma_start3A_69 = arith.constant 0 : i32
      %dma_start3A_70 = tpu.memref_slice %arg2[%mul3A_2, %dma_start3A_69] : memref<16384x20xi32, #tpu.memory_space<hbm>> -> memref<512x20xi32, #tpu.memory_space<hbm>>
      tpu.enqueue_dma source(%dma_start3A_70 : memref<512x20xi32, #tpu.memory_space<hbm>>) target(%arg6 : memref<512x20xi32, #tpu.memory_space<vmem>>) target_semaphore(%run_scoped3A : memref<!tpu.dma_semaphore, #tpu.memory_space<semaphore_mem>>)
      %dma_wait3A_71 = arith.constant 0 : i32
      %dma_wait3A_72 = tpu.memref_slice %arg2[%mul3A_2, %dma_wait3A_71] : memref<16384x20xi32, #tpu.memory_space<hbm>> -> memref<512x20xi32, #tpu.memory_space<hbm>>
      %dma_wait3A_73 = arith.constant 0 : i32
      %dma_wait3A_74 = tpu.memref_slice %arg2[%mul3A_2, %dma_wait3A_73] : memref<16384x20xi32, #tpu.memory_space<hbm>> -> memref<512x20xi32, #tpu.memory_space<hbm>>
      tpu.wait_dma2 semaphore(%run_scoped3A : memref<!tpu.dma_semaphore, #tpu.memory_space<semaphore_mem>>) src(%dma_wait3A_74 : memref<512x20xi32, #tpu.memory_space<hbm>>) dst(%arg6 : memref<512x20xi32, #tpu.memory_space<vmem>>)
      tpu.yield
    }) : () -> ()
    "tpu.region"() ({
      %run_scoped3A = tpu.sem_alloc : memref<!tpu.dma_semaphore, #tpu.memory_space<semaphore_mem>>
      %dma_start3A_67 = arith.constant 0 : i32
      %dma_start3A_68 = tpu.memref_slice %arg3[%mul3A_2, %dma_start3A_67] : memref<16384x5xi32, #tpu.memory_space<hbm>> -> memref<512x5xi32, #tpu.memory_space<hbm>>
      %dma_start3A_69 = arith.constant 0 : i32
      %dma_start3A_70 = tpu.memref_slice %arg3[%mul3A_2, %dma_start3A_69] : memref<16384x5xi32, #tpu.memory_space<hbm>> -> memref<512x5xi32, #tpu.memory_space<hbm>>
      tpu.enqueue_dma source(%dma_start3A_70 : memref<512x5xi32, #tpu.memory_space<hbm>>) target(%arg7 : memref<512x5xi32, #tpu.memory_space<vmem>>) target_semaphore(%run_scoped3A : memref<!tpu.dma_semaphore, #tpu.memory_space<semaphore_mem>>)
      %dma_wait3A_71 = arith.constant 0 : i32
      %dma_wait3A_72 = tpu.memref_slice %arg3[%mul3A_2, %dma_wait3A_71] : memref<16384x5xi32, #tpu.memory_space<hbm>> -> memref<512x5xi32, #tpu.memory_space<hbm>>
      %dma_wait3A_73 = arith.constant 0 : i32
      %dma_wait3A_74 = tpu.memref_slice %arg3[%mul3A_2, %dma_wait3A_73] : memref<16384x5xi32, #tpu.memory_space<hbm>> -> memref<512x5xi32, #tpu.memory_space<hbm>>
      tpu.wait_dma2 semaphore(%run_scoped3A : memref<!tpu.dma_semaphore, #tpu.memory_space<semaphore_mem>>) src(%dma_wait3A_74 : memref<512x5xi32, #tpu.memory_space<hbm>>) dst(%arg7 : memref<512x5xi32, #tpu.memory_space<vmem>>)
      tpu.yield
    }) : () -> ()
    %scan3A = arith.constant 0 : i32
    %scan3A_30 = arith.constant 0 : i32
    %scan3A_31 = arith.constant 512 : i32
    %scan3A_32 = arith.addi %scan3A_30, %scan3A_31 : i32
    %scan3A_33 = arith.constant 1 : i32
    scf.for %scan3A_67 = %scan3A_30 to %scan3A_32 step %scan3A_33  : i32 {
      %mul3A_68 = arith.constant 20 : i32
      %mul3A_69 = arith.muli %scan3A_67, %mul3A_68 : i32
      %get3A = arith.index_cast %scan3A_67 : i32 to index
      %get3A_70 = arith.constant 0 : index
      %get3A_71 = tpu.vector_load %arg6[%get3A, %get3A_70] {strides = array<i32>} : memref<512x20xi32, #tpu.memory_space<vmem>>, vector<16xi32>,
      %mul3A_72 = arith.constant 2 : i32
      %mul3A_73 = vector.broadcast %mul3A_72 : i32 to vector<16xi32>
      %mul3A_74 = arith.muli %get3A_71, %mul3A_73 : vector<16xi32>
      %get3A_75 = arith.index_cast %scan3A_67 : i32 to index
      %get3A_76 = arith.constant 4 : index
      %get3A_77 = tpu.vector_load %arg6[%get3A_75, %get3A_76] {strides = array<i32>} : memref<512x20xi32, #tpu.memory_space<vmem>>, vector<16xi32>,
      %mul3A_78 = arith.constant 2 : i32
      %mul3A_79 = vector.broadcast %mul3A_78 : i32 to vector<16xi32>
      %mul3A_80 = arith.muli %get3A_77, %mul3A_79 : vector<16xi32>
      %add3A_81 = vector.broadcast %mul3A_69 : i32 to vector<16xi32>
      %add3A_82 = arith.addi %add3A_81, %iota3A : vector<16xi32>
      tpu.vector_store_idx %arg8[%add3A_82], %mul3A_74 : memref<10240xi32, #tpu.memory_space<vmem>>[vector<16xi32>], vector<16xi32>,
      %add3A_83 = arith.constant 4 : i32
      %add3A_84 = arith.addi %mul3A_69, %add3A_83 : i32
      %add3A_85 = vector.broadcast %add3A_84 : i32 to vector<16xi32>
      %add3A_86 = arith.addi %add3A_85, %iota3A : vector<16xi32>
      tpu.vector_store_idx %arg8[%add3A_86], %mul3A_80 : memref<10240xi32, #tpu.memory_space<vmem>>[vector<16xi32>], vector<16xi32>,
      %broadcast_in_dim3A = vector.broadcast %scan3A_67 : i32 to vector<16xi32>
      %gather3A = tpu.vector_load_idx %arg7[%broadcast_in_dim3A, %iota3A] masked %lt3A_29 : memref<512x5xi32, #tpu.memory_space<vmem>>[vector<16xi32>, vector<16xi32>], vector<16xi32>, vector<16xi1>
      %mul3A_87 = arith.constant 5 : i32
      %mul3A_88 = arith.muli %scan3A_67, %mul3A_87 : i32
      %add3A_89 = vector.broadcast %mul3A_88 : i32 to vector<16xi32>
      %add3A_90 = arith.addi %add3A_89, %iota3A : vector<16xi32>
      %mul3A_91 = arith.constant 2 : i32
      %mul3A_92 = vector.broadcast %mul3A_91 : i32 to vector<16xi32>
      %mul3A_93 = arith.muli %gather3A, %mul3A_92 : vector<16xi32>
      %add3A_94 = arith.constant 1 : i32
      %add3A_95 = vector.broadcast %add3A_94 : i32 to vector<16xi32>
      %add3A_96 = arith.addi %mul3A_93, %add3A_95 : vector<16xi32>
      tpu.vector_store_idx %arg9[%add3A_90], %add3A_96 masked %lt3A_29 : memref<2560xi32, #tpu.memory_space<vmem>>[vector<16xi32>], vector<16xi32>, vector<16xi1>
    }
    %scan3A_34 = arith.constant 512 : i32
    %dma_start3A = arith.constant 0 : i32
    %dma_start3A_35 = tpu.memref_slice %arg8[%dma_start3A] : memref<10240xi32, #tpu.memory_space<vmem>> -> memref<320xi32, #tpu.memory_space<vmem>>
    %dma_start3A_36 = arith.constant 0 : i32
    %dma_start3A_37 = arith.constant 0 : i32
    %dma_start3A_38 = tpu.memref_slice %arg4[%dma_start3A_36, %dma_start3A_37] : memref<2000000x64xf32, #tpu.memory_space<hbm>> -> memref<2000000x64xf32, #tpu.memory_space<hbm>>
    tpu.enqueue_indirect_dma source(%dma_start3A_38 : memref<2000000x64xf32, #tpu.memory_space<hbm>>) target(%arg10 : memref<320x64xf32, #tpu.memory_space<vmem>>) offsets(%dma_start3A_35 : memref<320xi32, #tpu.memory_space<vmem>>) semaphore(%arg14 : memref<!tpu.dma_semaphore, #tpu.memory_space<semaphore_mem>>)
    %scan3A_39 = arith.constant 0 : i32
    %scan3A_40 = arith.constant 0 : i32
    %scan3A_41 = arith.constant 16 : i32
    %scan3A_42 = arith.addi %scan3A_40, %scan3A_41 : i32
    %scan3A_43 = arith.constant 1 : i32
    scf.for %scan3A_67 = %scan3A_40 to %scan3A_42 step %scan3A_43  : i32 {
      %mul3A_68 = arith.constant 2 : i32
      %mul3A_69 = arith.muli %mul3A_68, %scan3A_67 : i32
      %add3A_70 = arith.constant 1 : i32
      %add3A_71 = arith.addi %mul3A_69, %add3A_70 : i32
      %min3A = arith.constant 31 : i32
      %min3A_72 = arith.minsi %add3A_71, %min3A : i32
      %mul3A_73 = arith.constant 320 : i32
      %mul3A_74 = arith.muli %min3A_72, %mul3A_73 : i32
      %dma_start3A_75 = tpu.memref_slice %arg8[%mul3A_74] : memref<10240xi32, #tpu.memory_space<vmem>> -> memref<320xi32, #tpu.memory_space<vmem>>
      %dma_start3A_76 = arith.constant 0 : i32
      %dma_start3A_77 = arith.constant 0 : i32
      %dma_start3A_78 = tpu.memref_slice %arg4[%dma_start3A_76, %dma_start3A_77] : memref<2000000x64xf32, #tpu.memory_space<hbm>> -> memref<2000000x64xf32, #tpu.memory_space<hbm>>
      tpu.enqueue_indirect_dma source(%dma_start3A_78 : memref<2000000x64xf32, #tpu.memory_space<hbm>>) target(%arg11 : memref<320x64xf32, #tpu.memory_space<vmem>>) offsets(%dma_start3A_75 : memref<320xi32, #tpu.memory_space<vmem>>) semaphore(%arg15 : memref<!tpu.dma_semaphore, #tpu.memory_space<semaphore_mem>>)
      %dma_wait3A_79 = arith.constant 0 : i32
      %dma_wait3A_80 = arith.constant 0 : i32
      %dma_wait3A_81 = tpu.memref_slice %arg4[%dma_wait3A_79, %dma_wait3A_80] : memref<2000000x64xf32, #tpu.memory_space<hbm>> -> memref<320x64xf32, #tpu.memory_space<hbm>>
      %dma_wait3A_82 = arith.constant 0 : i32
      %dma_wait3A_83 = arith.constant 0 : i32
      %dma_wait3A_84 = tpu.memref_slice %arg4[%dma_wait3A_82, %dma_wait3A_83] : memref<2000000x64xf32, #tpu.memory_space<hbm>> -> memref<320x64xf32, #tpu.memory_space<hbm>>
      tpu.wait_dma2 semaphore(%arg14 : memref<!tpu.dma_semaphore, #tpu.memory_space<semaphore_mem>>) src(%dma_wait3A_84 : memref<320x64xf32, #tpu.memory_space<hbm>>) dst(%arg10 : memref<320x64xf32, #tpu.memory_space<vmem>>)
      %scan3A_85 = arith.constant 0 : i32
      %scan3A_86 = arith.constant 0 : i32
      %scan3A_87 = arith.constant 16 : i32
      %scan3A_88 = arith.addi %scan3A_86, %scan3A_87 : i32
      %scan3A_89 = arith.constant 1 : i32
      scf.for %scan3A_115 = %scan3A_86 to %scan3A_88 step %scan3A_89  : i32 {
        %mul3A_116 = arith.constant 20 : i32
        %mul3A_117 = arith.muli %scan3A_115, %mul3A_116 : i32
        %get3A = arith.index_cast %mul3A_117 : i32 to index
        %get3A_118 = arith.constant 0 : index
        %get3A_119 = tpu.vector_load %arg10[%get3A, %get3A_118] {strides = array<i32>} : memref<320x64xf32, #tpu.memory_space<vmem>>, vector<16xf32>,
        %get3A_120 = arith.index_cast %mul3A_117 : i32 to index
        %get3A_121 = arith.constant 16 : index
        %get3A_122 = tpu.vector_load %arg10[%get3A_120, %get3A_121] {strides = array<i32>} : memref<320x64xf32, #tpu.memory_space<vmem>>, vector<16xf32>,
        %get3A_123 = arith.index_cast %mul3A_117 : i32 to index
        %get3A_124 = arith.constant 32 : index
        %get3A_125 = tpu.vector_load %arg10[%get3A_123, %get3A_124] {strides = array<i32>} : memref<320x64xf32, #tpu.memory_space<vmem>>, vector<16xf32>,
        %get3A_126 = arith.index_cast %mul3A_117 : i32 to index
        %get3A_127 = arith.constant 48 : index
        %get3A_128 = tpu.vector_load %arg10[%get3A_126, %get3A_127] {strides = array<i32>} : memref<320x64xf32, #tpu.memory_space<vmem>>, vector<16xf32>,
        %add3A_129 = arith.constant 1 : i32
        %add3A_130 = arith.addi %mul3A_117, %add3A_129 : i32
        %get3A_131 = arith.index_cast %add3A_130 : i32 to index
        %get3A_132 = arith.constant 0 : index
        %get3A_133 = tpu.vector_load %arg10[%get3A_131, %get3A_132] {strides = array<i32>} : memref<320x64xf32, #tpu.memory_space<vmem>>, vector<16xf32>,
        %add3A_134 = arith.addf %get3A_119, %get3A_133 : vector<16xf32>
        %add3A_135 = arith.constant 1 : i32
        %add3A_136 = arith.addi %mul3A_117, %add3A_135 : i32
        %get3A_137 = arith.index_cast %add3A_136 : i32 to index
        %get3A_138 = arith.constant 16 : index
        %get3A_139 = tpu.vector_load %arg10[%get3A_137, %get3A_138] {strides = array<i32>} : memref<320x64xf32, #tpu.memory_space<vmem>>, vector<16xf32>,
        %add3A_140 = arith.addf %get3A_122, %get3A_139 : vector<16xf32>
        %add3A_141 = arith.constant 1 : i32
        %add3A_142 = arith.addi %mul3A_117, %add3A_141 : i32
        %get3A_143 = arith.index_cast %add3A_142 : i32 to index
        %get3A_144 = arith.constant 32 : index
        %get3A_145 = tpu.vector_load %arg10[%get3A_143, %get3A_144] {strides = array<i32>} : memref<320x64xf32, #tpu.memory_space<vmem>>, vector<16xf32>,
        %add3A_146 = arith.addf %get3A_125, %get3A_145 : vector<16xf32>
        %add3A_147 = arith.constant 1 : i32
        %add3A_148 = arith.addi %mul3A_117, %add3A_147 : i32
        %get3A_149 = arith.index_cast %add3A_148 : i32 to index
        %get3A_150 = arith.constant 48 : index
        %get3A_151 = tpu.vector_load %arg10[%get3A_149, %get3A_150] {strides = array<i32>} : memref<320x64xf32, #tpu.memory_space<vmem>>, vector<16xf32>,
        %add3A_152 = arith.addf %get3A_128, %get3A_151 : vector<16xf32>
        %add3A_153 = arith.constant 2 : i32
        %add3A_154 = arith.addi %mul3A_117, %add3A_153 : i32
        %get3A_155 = arith.index_cast %add3A_154 : i32 to index
        %get3A_156 = arith.constant 0 : index
        %get3A_157 = tpu.vector_load %arg10[%get3A_155, %get3A_156] {strides = array<i32>} : memref<320x64xf32, #tpu.memory_space<vmem>>, vector<16xf32>,
        %add3A_158 = arith.addf %add3A_134, %get3A_157 : vector<16xf32>
        %add3A_159 = arith.constant 2 : i32
        %add3A_160 = arith.addi %mul3A_117, %add3A_159 : i32
        %get3A_161 = arith.index_cast %add3A_160 : i32 to index
        %get3A_162 = arith.constant 16 : index
        %get3A_163 = tpu.vector_load %arg10[%get3A_161, %get3A_162] {strides = array<i32>} : memref<320x64xf32, #tpu.memory_space<vmem>>, vector<16xf32>,
        %add3A_164 = arith.addf %add3A_140, %get3A_163 : vector<16xf32>
        %add3A_165 = arith.constant 2 : i32
        %add3A_166 = arith.addi %mul3A_117, %add3A_165 : i32
        %get3A_167 = arith.index_cast %add3A_166 : i32 to index
        %get3A_168 = arith.constant 32 : index
        %get3A_169 = tpu.vector_load %arg10[%get3A_167, %get3A_168] {strides = array<i32>} : memref<320x64xf32, #tpu.memory_space<vmem>>, vector<16xf32>,
        %add3A_170 = arith.addf %add3A_146, %get3A_169 : vector<16xf32>
        %add3A_171 = arith.constant 2 : i32
        %add3A_172 = arith.addi %mul3A_117, %add3A_171 : i32
        %get3A_173 = arith.index_cast %add3A_172 : i32 to index
        %get3A_174 = arith.constant 48 : index
        %get3A_175 = tpu.vector_load %arg10[%get3A_173, %get3A_174] {strides = array<i32>} : memref<320x64xf32, #tpu.memory_space<vmem>>, vector<16xf32>,
        %add3A_176 = arith.addf %add3A_152, %get3A_175 : vector<16xf32>
        %add3A_177 = arith.constant 3 : i32
        %add3A_178 = arith.addi %mul3A_117, %add3A_177 : i32
        %get3A_179 = arith.index_cast %add3A_178 : i32 to index
        %get3A_180 = arith.constant 0 : index
        %get3A_181 = tpu.vector_load %arg10[%get3A_179, %get3A_180] {strides = array<i32>} : memref<320x64xf32, #tpu.memory_space<vmem>>, vector<16xf32>,
        %add3A_182 = arith.addf %add3A_158, %get3A_181 : vector<16xf32>
        %add3A_183 = arith.constant 3 : i32
        %add3A_184 = arith.addi %mul3A_117, %add3A_183 : i32
        %get3A_185 = arith.index_cast %add3A_184 : i32 to index
        %get3A_186 = arith.constant 16 : index
        %get3A_187 = tpu.vector_load %arg10[%get3A_185, %get3A_186] {strides = array<i32>} : memref<320x64xf32, #tpu.memory_space<vmem>>, vector<16xf32>,
        %add3A_188 = arith.addf %add3A_164, %get3A_187 : vector<16xf32>
        %add3A_189 = arith.constant 3 : i32
        %add3A_190 = arith.addi %mul3A_117, %add3A_189 : i32
        %get3A_191 = arith.index_cast %add3A_190 : i32 to index
        %get3A_192 = arith.constant 32 : index
        %get3A_193 = tpu.vector_load %arg10[%get3A_191, %get3A_192] {strides = array<i32>} : memref<320x64xf32, #tpu.memory_space<vmem>>, vector<16xf32>,
        %add3A_194 = arith.addf %add3A_170, %get3A_193 : vector<16xf32>
        %add3A_195 = arith.constant 3 : i32
        %add3A_196 = arith.addi %mul3A_117, %add3A_195 : i32
        %get3A_197 = arith.index_cast %add3A_196 : i32 to index
        %get3A_198 = arith.constant 48 : index
        %get3A_199 = tpu.vector_load %arg10[%get3A_197, %get3A_198] {strides = array<i32>} : memref<320x64xf32, #tpu.memory_space<vmem>>, vector<16xf32>,
        %add3A_200 = arith.addf %add3A_176, %get3A_199 : vector<16xf32>
        %add3A_201 = arith.constant 4 : i32
        %add3A_202 = arith.addi %mul3A_117, %add3A_201 : i32
        %get3A_203 = arith.index_cast %add3A_202 : i32 to index
        %get3A_204 = arith.constant 0 : index
        %get3A_205 = tpu.vector_load %arg10[%get3A_203, %get3A_204] {strides = array<i32>} : memref<320x64xf32, #tpu.memory_space<vmem>>, vector<16xf32>,
        %add3A_206 = arith.addf %add3A_182, %get3A_205 : vector<16xf32>
        %add3A_207 = arith.constant 4 : i32
        %add3A_208 = arith.addi %mul3A_117, %add3A_207 : i32
        %get3A_209 = arith.index_cast %add3A_208 : i32 to index
        %get3A_210 = arith.constant 16 : index
        %get3A_211 = tpu.vector_load %arg10[%get3A_209, %get3A_210] {strides = array<i32>} : memref<320x64xf32, #tpu.memory_space<vmem>>, vector<16xf32>,
        %add3A_212 = arith.addf %add3A_188, %get3A_211 : vector<16xf32>
        %add3A_213 = arith.constant 4 : i32
        %add3A_214 = arith.addi %mul3A_117, %add3A_213 : i32
        %get3A_215 = arith.index_cast %add3A_214 : i32 to index
        %get3A_216 = arith.constant 32 : index
        %get3A_217 = tpu.vector_load %arg10[%get3A_215, %get3A_216] {strides = array<i32>} : memref<320x64xf32, #tpu.memory_space<vmem>>, vector<16xf32>,
        %add3A_218 = arith.addf %add3A_194, %get3A_217 : vector<16xf32>
        %add3A_219 = arith.constant 4 : i32
        %add3A_220 = arith.addi %mul3A_117, %add3A_219 : i32
        %get3A_221 = arith.index_cast %add3A_220 : i32 to index
        %get3A_222 = arith.constant 48 : index
        %get3A_223 = tpu.vector_load %arg10[%get3A_221, %get3A_222] {strides = array<i32>} : memref<320x64xf32, #tpu.memory_space<vmem>>, vector<16xf32>,
        %add3A_224 = arith.addf %add3A_200, %get3A_223 : vector<16xf32>
        %add3A_225 = arith.constant 5 : i32
        %add3A_226 = arith.addi %mul3A_117, %add3A_225 : i32
        %get3A_227 = arith.index_cast %add3A_226 : i32 to index
        %get3A_228 = arith.constant 0 : index
        %get3A_229 = tpu.vector_load %arg10[%get3A_227, %get3A_228] {strides = array<i32>} : memref<320x64xf32, #tpu.memory_space<vmem>>, vector<16xf32>,
        %add3A_230 = arith.addf %add3A_206, %get3A_229 : vector<16xf32>
        %add3A_231 = arith.constant 5 : i32
        %add3A_232 = arith.addi %mul3A_117, %add3A_231 : i32
        %get3A_233 = arith.index_cast %add3A_232 : i32 to index
        %get3A_234 = arith.constant 16 : index
        %get3A_235 = tpu.vector_load %arg10[%get3A_233, %get3A_234] {strides = array<i32>} : memref<320x64xf32, #tpu.memory_space<vmem>>, vector<16xf32>,
        %add3A_236 = arith.addf %add3A_212, %get3A_235 : vector<16xf32>
        %add3A_237 = arith.constant 5 : i32
        %add3A_238 = arith.addi %mul3A_117, %add3A_237 : i32
        %get3A_239 = arith.index_cast %add3A_238 : i32 to index
        %get3A_240 = arith.constant 32 : index
        %get3A_241 = tpu.vector_load %arg10[%get3A_239, %get3A_240] {strides = array<i32>} : memref<320x64xf32, #tpu.memory_space<vmem>>, vector<16xf32>,
        %add3A_242 = arith.addf %add3A_218, %get3A_241 : vector<16xf32>
        %add3A_243 = arith.constant 5 : i32
        %add3A_244 = arith.addi %mul3A_117, %add3A_243 : i32
        %get3A_245 = arith.index_cast %add3A_244 : i32 to index
        %get3A_246 = arith.constant 48 : index
        %get3A_247 = tpu.vector_load %arg10[%get3A_245, %get3A_246] {strides = array<i32>} : memref<320x64xf32, #tpu.memory_space<vmem>>, vector<16xf32>,
        %add3A_248 = arith.addf %add3A_224, %get3A_247 : vector<16xf32>
        %add3A_249 = arith.constant 6 : i32
        %add3A_250 = arith.addi %mul3A_117, %add3A_249 : i32
        %get3A_251 = arith.index_cast %add3A_250 : i32 to index
        %get3A_252 = arith.constant 0 : index
        %get3A_253 = tpu.vector_load %arg10[%get3A_251, %get3A_252] {strides = array<i32>} : memref<320x64xf32, #tpu.memory_space<vmem>>, vector<16xf32>,
        %add3A_254 = arith.addf %add3A_230, %get3A_253 : vector<16xf32>
        %add3A_255 = arith.constant 6 : i32
        %add3A_256 = arith.addi %mul3A_117, %add3A_255 : i32
        %get3A_257 = arith.index_cast %add3A_256 : i32 to index
        %get3A_258 = arith.constant 16 : index
        %get3A_259 = tpu.vector_load %arg10[%get3A_257, %get3A_258] {strides = array<i32>} : memref<320x64xf32, #tpu.memory_space<vmem>>, vector<16xf32>,
        %add3A_260 = arith.addf %add3A_236, %get3A_259 : vector<16xf32>
        %add3A_261 = arith.constant 6 : i32
        %add3A_262 = arith.addi %mul3A_117, %add3A_261 : i32
        %get3A_263 = arith.index_cast %add3A_262 : i32 to index
        %get3A_264 = arith.constant 32 : index
        %get3A_265 = tpu.vector_load %arg10[%get3A_263, %get3A_264] {strides = array<i32>} : memref<320x64xf32, #tpu.memory_space<vmem>>, vector<16xf32>,
        %add3A_266 = arith.addf %add3A_242, %get3A_265 : vector<16xf32>
        %add3A_267 = arith.constant 6 : i32
        %add3A_268 = arith.addi %mul3A_117, %add3A_267 : i32
        %get3A_269 = arith.index_cast %add3A_268 : i32 to index
        %get3A_270 = arith.constant 48 : index
        %get3A_271 = tpu.vector_load %arg10[%get3A_269, %get3A_270] {strides = array<i32>} : memref<320x64xf32, #tpu.memory_space<vmem>>, vector<16xf32>,
        %add3A_272 = arith.addf %add3A_248, %get3A_271 : vector<16xf32>
        %add3A_273 = arith.constant 7 : i32
        %add3A_274 = arith.addi %mul3A_117, %add3A_273 : i32
        %get3A_275 = arith.index_cast %add3A_274 : i32 to index
        %get3A_276 = arith.constant 0 : index
        %get3A_277 = tpu.vector_load %arg10[%get3A_275, %get3A_276] {strides = array<i32>} : memref<320x64xf32, #tpu.memory_space<vmem>>, vector<16xf32>,
        %add3A_278 = arith.addf %add3A_254, %get3A_277 : vector<16xf32>
        %add3A_279 = arith.constant 7 : i32
        %add3A_280 = arith.addi %mul3A_117, %add3A_279 : i32
        %get3A_281 = arith.index_cast %add3A_280 : i32 to index
        %get3A_282 = arith.constant 16 : index
        %get3A_283 = tpu.vector_load %arg10[%get3A_281, %get3A_282] {strides = array<i32>} : memref<320x64xf32, #tpu.memory_space<vmem>>, vector<16xf32>,
        %add3A_284 = arith.addf %add3A_260, %get3A_283 : vector<16xf32>
        %add3A_285 = arith.constant 7 : i32
        %add3A_286 = arith.addi %mul3A_117, %add3A_285 : i32
        %get3A_287 = arith.index_cast %add3A_286 : i32 to index
        %get3A_288 = arith.constant 32 : index
        %get3A_289 = tpu.vector_load %arg10[%get3A_287, %get3A_288] {strides = array<i32>} : memref<320x64xf32, #tpu.memory_space<vmem>>, vector<16xf32>,
        %add3A_290 = arith.addf %add3A_266, %get3A_289 : vector<16xf32>
        %add3A_291 = arith.constant 7 : i32
        %add3A_292 = arith.addi %mul3A_117, %add3A_291 : i32
        %get3A_293 = arith.index_cast %add3A_292 : i32 to index
        %get3A_294 = arith.constant 48 : index
        %get3A_295 = tpu.vector_load %arg10[%get3A_293, %get3A_294] {strides = array<i32>} : memref<320x64xf32, #tpu.memory_space<vmem>>, vector<16xf32>,
        %add3A_296 = arith.addf %add3A_272, %get3A_295 : vector<16xf32>
        %add3A_297 = arith.constant 8 : i32
        %add3A_298 = arith.addi %mul3A_117, %add3A_297 : i32
        %get3A_299 = arith.index_cast %add3A_298 : i32 to index
        %get3A_300 = arith.constant 0 : index
        %get3A_301 = tpu.vector_load %arg10[%get3A_299, %get3A_300] {strides = array<i32>} : memref<320x64xf32, #tpu.memory_space<vmem>>, vector<16xf32>,
        %add3A_302 = arith.addf %add3A_278, %get3A_301 : vector<16xf32>
        %add3A_303 = arith.constant 8 : i32
        %add3A_304 = arith.addi %mul3A_117, %add3A_303 : i32
        %get3A_305 = arith.index_cast %add3A_304 : i32 to index
        %get3A_306 = arith.constant 16 : index
        %get3A_307 = tpu.vector_load %arg10[%get3A_305, %get3A_306] {strides = array<i32>} : memref<320x64xf32, #tpu.memory_space<vmem>>, vector<16xf32>,
        %add3A_308 = arith.addf %add3A_284, %get3A_307 : vector<16xf32>
        %add3A_309 = arith.constant 8 : i32
        %add3A_310 = arith.addi %mul3A_117, %add3A_309 : i32
        %get3A_311 = arith.index_cast %add3A_310 : i32 to index
        %get3A_312 = arith.constant 32 : index
        %get3A_313 = tpu.vector_load %arg10[%get3A_311, %get3A_312] {strides = array<i32>} : memref<320x64xf32, #tpu.memory_space<vmem>>, vector<16xf32>,
        %add3A_314 = arith.addf %add3A_290, %get3A_313 : vector<16xf32>
        %add3A_315 = arith.constant 8 : i32
        %add3A_316 = arith.addi %mul3A_117, %add3A_315 : i32
        %get3A_317 = arith.index_cast %add3A_316 : i32 to index
        %get3A_318 = arith.constant 48 : index
        %get3A_319 = tpu.vector_load %arg10[%get3A_317, %get3A_318] {strides = array<i32>} : memref<320x64xf32, #tpu.memory_space<vmem>>, vector<16xf32>,
        %add3A_320 = arith.addf %add3A_296, %get3A_319 : vector<16xf32>
        %add3A_321 = arith.constant 9 : i32
        %add3A_322 = arith.addi %mul3A_117, %add3A_321 : i32
        %get3A_323 = arith.index_cast %add3A_322 : i32 to index
        %get3A_324 = arith.constant 0 : index
        %get3A_325 = tpu.vector_load %arg10[%get3A_323, %get3A_324] {strides = array<i32>} : memref<320x64xf32, #tpu.memory_space<vmem>>, vector<16xf32>,
        %add3A_326 = arith.addf %add3A_302, %get3A_325 : vector<16xf32>
        %add3A_327 = arith.constant 9 : i32
        %add3A_328 = arith.addi %mul3A_117, %add3A_327 : i32
        %get3A_329 = arith.index_cast %add3A_328 : i32 to index
        %get3A_330 = arith.constant 16 : index
        %get3A_331 = tpu.vector_load %arg10[%get3A_329, %get3A_330] {strides = array<i32>} : memref<320x64xf32, #tpu.memory_space<vmem>>, vector<16xf32>,
        %add3A_332 = arith.addf %add3A_308, %get3A_331 : vector<16xf32>
        %add3A_333 = arith.constant 9 : i32
        %add3A_334 = arith.addi %mul3A_117, %add3A_333 : i32
        %get3A_335 = arith.index_cast %add3A_334 : i32 to index
        %get3A_336 = arith.constant 32 : index
        %get3A_337 = tpu.vector_load %arg10[%get3A_335, %get3A_336] {strides = array<i32>} : memref<320x64xf32, #tpu.memory_space<vmem>>, vector<16xf32>,
        %add3A_338 = arith.addf %add3A_314, %get3A_337 : vector<16xf32>
        %add3A_339 = arith.constant 9 : i32
        %add3A_340 = arith.addi %mul3A_117, %add3A_339 : i32
        %get3A_341 = arith.index_cast %add3A_340 : i32 to index
        %get3A_342 = arith.constant 48 : index
        %get3A_343 = tpu.vector_load %arg10[%get3A_341, %get3A_342] {strides = array<i32>} : memref<320x64xf32, #tpu.memory_space<vmem>>, vector<16xf32>,
        %add3A_344 = arith.addf %add3A_320, %get3A_343 : vector<16xf32>
        %add3A_345 = arith.constant 10 : i32
        %add3A_346 = arith.addi %mul3A_117, %add3A_345 : i32
        %get3A_347 = arith.index_cast %add3A_346 : i32 to index
        %get3A_348 = arith.constant 0 : index
        %get3A_349 = tpu.vector_load %arg10[%get3A_347, %get3A_348] {strides = array<i32>} : memref<320x64xf32, #tpu.memory_space<vmem>>, vector<16xf32>,
        %add3A_350 = arith.addf %add3A_326, %get3A_349 : vector<16xf32>
        %add3A_351 = arith.constant 10 : i32
        %add3A_352 = arith.addi %mul3A_117, %add3A_351 : i32
        %get3A_353 = arith.index_cast %add3A_352 : i32 to index
        %get3A_354 = arith.constant 16 : index
        %get3A_355 = tpu.vector_load %arg10[%get3A_353, %get3A_354] {strides = array<i32>} : memref<320x64xf32, #tpu.memory_space<vmem>>, vector<16xf32>,
        %add3A_356 = arith.addf %add3A_332, %get3A_355 : vector<16xf32>
        %add3A_357 = arith.constant 10 : i32
        %add3A_358 = arith.addi %mul3A_117, %add3A_357 : i32
        %get3A_359 = arith.index_cast %add3A_358 : i32 to index
        %get3A_360 = arith.constant 32 : index
        %get3A_361 = tpu.vector_load %arg10[%get3A_359, %get3A_360] {strides = array<i32>} : memref<320x64xf32, #tpu.memory_space<vmem>>, vector<16xf32>,
        %add3A_362 = arith.addf %add3A_338, %get3A_361 : vector<16xf32>
        %add3A_363 = arith.constant 10 : i32
        %add3A_364 = arith.addi %mul3A_117, %add3A_363 : i32
        %get3A_365 = arith.index_cast %add3A_364 : i32 to index
        %get3A_366 = arith.constant 48 : index
        %get3A_367 = tpu.vector_load %arg10[%get3A_365, %get3A_366] {strides = array<i32>} : memref<320x64xf32, #tpu.memory_space<vmem>>, vector<16xf32>,
        %add3A_368 = arith.addf %add3A_344, %get3A_367 : vector<16xf32>
        %add3A_369 = arith.constant 11 : i32
        %add3A_370 = arith.addi %mul3A_117, %add3A_369 : i32
        %get3A_371 = arith.index_cast %add3A_370 : i32 to index
        %get3A_372 = arith.constant 0 : index
        %get3A_373 = tpu.vector_load %arg10[%get3A_371, %get3A_372] {strides = array<i32>} : memref<320x64xf32, #tpu.memory_space<vmem>>, vector<16xf32>,
        %add3A_374 = arith.addf %add3A_350, %get3A_373 : vector<16xf32>
        %add3A_375 = arith.constant 11 : i32
        %add3A_376 = arith.addi %mul3A_117, %add3A_375 : i32
        %get3A_377 = arith.index_cast %add3A_376 : i32 to index
        %get3A_378 = arith.constant 16 : index
        %get3A_379 = tpu.vector_load %arg10[%get3A_377, %get3A_378] {strides = array<i32>} : memref<320x64xf32, #tpu.memory_space<vmem>>, vector<16xf32>,
        %add3A_380 = arith.addf %add3A_356, %get3A_379 : vector<16xf32>
        %add3A_381 = arith.constant 11 : i32
        %add3A_382 = arith.addi %mul3A_117, %add3A_381 : i32
        %get3A_383 = arith.index_cast %add3A_382 : i32 to index
        %get3A_384 = arith.constant 32 : index
        %get3A_385 = tpu.vector_load %arg10[%get3A_383, %get3A_384] {strides = array<i32>} : memref<320x64xf32, #tpu.memory_space<vmem>>, vector<16xf32>,
        %add3A_386 = arith.addf %add3A_362, %get3A_385 : vector<16xf32>
        %add3A_387 = arith.constant 11 : i32
        %add3A_388 = arith.addi %mul3A_117, %add3A_387 : i32
        %get3A_389 = arith.index_cast %add3A_388 : i32 to index
        %get3A_390 = arith.constant 48 : index
        %get3A_391 = tpu.vector_load %arg10[%get3A_389, %get3A_390] {strides = array<i32>} : memref<320x64xf32, #tpu.memory_space<vmem>>, vector<16xf32>,
        %add3A_392 = arith.addf %add3A_368, %get3A_391 : vector<16xf32>
        %add3A_393 = arith.constant 12 : i32
        %add3A_394 = arith.addi %mul3A_117, %add3A_393 : i32
        %get3A_395 = arith.index_cast %add3A_394 : i32 to index
        %get3A_396 = arith.constant 0 : index
        %get3A_397 = tpu.vector_load %arg10[%get3A_395, %get3A_396] {strides = array<i32>} : memref<320x64xf32, #tpu.memory_space<vmem>>, vector<16xf32>,
        %add3A_398 = arith.addf %add3A_374, %get3A_397 : vector<16xf32>
        %add3A_399 = arith.constant 12 : i32
        %add3A_400 = arith.addi %mul3A_117, %add3A_399 : i32
        %get3A_401 = arith.index_cast %add3A_400 : i32 to index
        %get3A_402 = arith.constant 16 : index
        %get3A_403 = tpu.vector_load %arg10[%get3A_401, %get3A_402] {strides = array<i32>} : memref<320x64xf32, #tpu.memory_space<vmem>>, vector<16xf32>,
        %add3A_404 = arith.addf %add3A_380, %get3A_403 : vector<16xf32>
        %add3A_405 = arith.constant 12 : i32
        %add3A_406 = arith.addi %mul3A_117, %add3A_405 : i32
        %get3A_407 = arith.index_cast %add3A_406 : i32 to index
        %get3A_408 = arith.constant 32 : index
        %get3A_409 = tpu.vector_load %arg10[%get3A_407, %get3A_408] {strides = array<i32>} : memref<320x64xf32, #tpu.memory_space<vmem>>, vector<16xf32>,
        %add3A_410 = arith.addf %add3A_386, %get3A_409 : vector<16xf32>
        %add3A_411 = arith.constant 12 : i32
        %add3A_412 = arith.addi %mul3A_117, %add3A_411 : i32
        %get3A_413 = arith.index_cast %add3A_412 : i32 to index
        %get3A_414 = arith.constant 48 : index
        %get3A_415 = tpu.vector_load %arg10[%get3A_413, %get3A_414] {strides = array<i32>} : memref<320x64xf32, #tpu.memory_space<vmem>>, vector<16xf32>,
        %add3A_416 = arith.addf %add3A_392, %get3A_415 : vector<16xf32>
        %add3A_417 = arith.constant 13 : i32
        %add3A_418 = arith.addi %mul3A_117, %add3A_417 : i32
        %get3A_419 = arith.index_cast %add3A_418 : i32 to index
        %get3A_420 = arith.constant 0 : index
        %get3A_421 = tpu.vector_load %arg10[%get3A_419, %get3A_420] {strides = array<i32>} : memref<320x64xf32, #tpu.memory_space<vmem>>, vector<16xf32>,
        %add3A_422 = arith.addf %add3A_398, %get3A_421 : vector<16xf32>
        %add3A_423 = arith.constant 13 : i32
        %add3A_424 = arith.addi %mul3A_117, %add3A_423 : i32
        %get3A_425 = arith.index_cast %add3A_424 : i32 to index
        %get3A_426 = arith.constant 16 : index
        %get3A_427 = tpu.vector_load %arg10[%get3A_425, %get3A_426] {strides = array<i32>} : memref<320x64xf32, #tpu.memory_space<vmem>>, vector<16xf32>,
        %add3A_428 = arith.addf %add3A_404, %get3A_427 : vector<16xf32>
        %add3A_429 = arith.constant 13 : i32
        %add3A_430 = arith.addi %mul3A_117, %add3A_429 : i32
        %get3A_431 = arith.index_cast %add3A_430 : i32 to index
        %get3A_432 = arith.constant 32 : index
        %get3A_433 = tpu.vector_load %arg10[%get3A_431, %get3A_432] {strides = array<i32>} : memref<320x64xf32, #tpu.memory_space<vmem>>, vector<16xf32>,
        %add3A_434 = arith.addf %add3A_410, %get3A_433 : vector<16xf32>
        %add3A_435 = arith.constant 13 : i32
        %add3A_436 = arith.addi %mul3A_117, %add3A_435 : i32
        %get3A_437 = arith.index_cast %add3A_436 : i32 to index
        %get3A_438 = arith.constant 48 : index
        %get3A_439 = tpu.vector_load %arg10[%get3A_437, %get3A_438] {strides = array<i32>} : memref<320x64xf32, #tpu.memory_space<vmem>>, vector<16xf32>,
        %add3A_440 = arith.addf %add3A_416, %get3A_439 : vector<16xf32>
        %add3A_441 = arith.constant 14 : i32
        %add3A_442 = arith.addi %mul3A_117, %add3A_441 : i32
        %get3A_443 = arith.index_cast %add3A_442 : i32 to index
        %get3A_444 = arith.constant 0 : index
        %get3A_445 = tpu.vector_load %arg10[%get3A_443, %get3A_444] {strides = array<i32>} : memref<320x64xf32, #tpu.memory_space<vmem>>, vector<16xf32>,
        %add3A_446 = arith.addf %add3A_422, %get3A_445 : vector<16xf32>
        %add3A_447 = arith.constant 14 : i32
        %add3A_448 = arith.addi %mul3A_117, %add3A_447 : i32
        %get3A_449 = arith.index_cast %add3A_448 : i32 to index
        %get3A_450 = arith.constant 16 : index
        %get3A_451 = tpu.vector_load %arg10[%get3A_449, %get3A_450] {strides = array<i32>} : memref<320x64xf32, #tpu.memory_space<vmem>>, vector<16xf32>,
        %add3A_452 = arith.addf %add3A_428, %get3A_451 : vector<16xf32>
        %add3A_453 = arith.constant 14 : i32
        %add3A_454 = arith.addi %mul3A_117, %add3A_453 : i32
        %get3A_455 = arith.index_cast %add3A_454 : i32 to index
        %get3A_456 = arith.constant 32 : index
        %get3A_457 = tpu.vector_load %arg10[%get3A_455, %get3A_456] {strides = array<i32>} : memref<320x64xf32, #tpu.memory_space<vmem>>, vector<16xf32>,
        %add3A_458 = arith.addf %add3A_434, %get3A_457 : vector<16xf32>
        %add3A_459 = arith.constant 14 : i32
        %add3A_460 = arith.addi %mul3A_117, %add3A_459 : i32
        %get3A_461 = arith.index_cast %add3A_460 : i32 to index
        %get3A_462 = arith.constant 48 : index
        %get3A_463 = tpu.vector_load %arg10[%get3A_461, %get3A_462] {strides = array<i32>} : memref<320x64xf32, #tpu.memory_space<vmem>>, vector<16xf32>,
        %add3A_464 = arith.addf %add3A_440, %get3A_463 : vector<16xf32>
        %add3A_465 = arith.constant 15 : i32
        %add3A_466 = arith.addi %mul3A_117, %add3A_465 : i32
        %get3A_467 = arith.index_cast %add3A_466 : i32 to index
        %get3A_468 = arith.constant 0 : index
        %get3A_469 = tpu.vector_load %arg10[%get3A_467, %get3A_468] {strides = array<i32>} : memref<320x64xf32, #tpu.memory_space<vmem>>, vector<16xf32>,
        %add3A_470 = arith.addf %add3A_446, %get3A_469 : vector<16xf32>
        %add3A_471 = arith.constant 15 : i32
        %add3A_472 = arith.addi %mul3A_117, %add3A_471 : i32
        %get3A_473 = arith.index_cast %add3A_472 : i32 to index
        %get3A_474 = arith.constant 16 : index
        %get3A_475 = tpu.vector_load %arg10[%get3A_473, %get3A_474] {strides = array<i32>} : memref<320x64xf32, #tpu.memory_space<vmem>>, vector<16xf32>,
        %add3A_476 = arith.addf %add3A_452, %get3A_475 : vector<16xf32>
        %add3A_477 = arith.constant 15 : i32
        %add3A_478 = arith.addi %mul3A_117, %add3A_477 : i32
        %get3A_479 = arith.index_cast %add3A_478 : i32 to index
        %get3A_480 = arith.constant 32 : index
        %get3A_481 = tpu.vector_load %arg10[%get3A_479, %get3A_480] {strides = array<i32>} : memref<320x64xf32, #tpu.memory_space<vmem>>, vector<16xf32>,
        %add3A_482 = arith.addf %add3A_458, %get3A_481 : vector<16xf32>
        %add3A_483 = arith.constant 15 : i32
        %add3A_484 = arith.addi %mul3A_117, %add3A_483 : i32
        %get3A_485 = arith.index_cast %add3A_484 : i32 to index
        %get3A_486 = arith.constant 48 : index
        %get3A_487 = tpu.vector_load %arg10[%get3A_485, %get3A_486] {strides = array<i32>} : memref<320x64xf32, #tpu.memory_space<vmem>>, vector<16xf32>,
        %add3A_488 = arith.addf %add3A_464, %get3A_487 : vector<16xf32>
        %add3A_489 = arith.constant 16 : i32
        %add3A_490 = arith.addi %mul3A_117, %add3A_489 : i32
        %get3A_491 = arith.index_cast %add3A_490 : i32 to index
        %get3A_492 = arith.constant 0 : index
        %get3A_493 = tpu.vector_load %arg10[%get3A_491, %get3A_492] {strides = array<i32>} : memref<320x64xf32, #tpu.memory_space<vmem>>, vector<16xf32>,
        %add3A_494 = arith.addf %add3A_470, %get3A_493 : vector<16xf32>
        %add3A_495 = arith.constant 16 : i32
        %add3A_496 = arith.addi %mul3A_117, %add3A_495 : i32
        %get3A_497 = arith.index_cast %add3A_496 : i32 to index
        %get3A_498 = arith.constant 16 : index
        %get3A_499 = tpu.vector_load %arg10[%get3A_497, %get3A_498] {strides = array<i32>} : memref<320x64xf32, #tpu.memory_space<vmem>>, vector<16xf32>,
        %add3A_500 = arith.addf %add3A_476, %get3A_499 : vector<16xf32>
        %add3A_501 = arith.constant 16 : i32
        %add3A_502 = arith.addi %mul3A_117, %add3A_501 : i32
        %get3A_503 = arith.index_cast %add3A_502 : i32 to index
        %get3A_504 = arith.constant 32 : index
        %get3A_505 = tpu.vector_load %arg10[%get3A_503, %get3A_504] {strides = array<i32>} : memref<320x64xf32, #tpu.memory_space<vmem>>, vector<16xf32>,
        %add3A_506 = arith.addf %add3A_482, %get3A_505 : vector<16xf32>
        %add3A_507 = arith.constant 16 : i32
        %add3A_508 = arith.addi %mul3A_117, %add3A_507 : i32
        %get3A_509 = arith.index_cast %add3A_508 : i32 to index
        %get3A_510 = arith.constant 48 : index
        %get3A_511 = tpu.vector_load %arg10[%get3A_509, %get3A_510] {strides = array<i32>} : memref<320x64xf32, #tpu.memory_space<vmem>>, vector<16xf32>,
        %add3A_512 = arith.addf %add3A_488, %get3A_511 : vector<16xf32>
        %add3A_513 = arith.constant 17 : i32
        %add3A_514 = arith.addi %mul3A_117, %add3A_513 : i32
        %get3A_515 = arith.index_cast %add3A_514 : i32 to index
        %get3A_516 = arith.constant 0 : index
        %get3A_517 = tpu.vector_load %arg10[%get3A_515, %get3A_516] {strides = array<i32>} : memref<320x64xf32, #tpu.memory_space<vmem>>, vector<16xf32>,
        %add3A_518 = arith.addf %add3A_494, %get3A_517 : vector<16xf32>
        %add3A_519 = arith.constant 17 : i32
        %add3A_520 = arith.addi %mul3A_117, %add3A_519 : i32
        %get3A_521 = arith.index_cast %add3A_520 : i32 to index
        %get3A_522 = arith.constant 16 : index
        %get3A_523 = tpu.vector_load %arg10[%get3A_521, %get3A_522] {strides = array<i32>} : memref<320x64xf32, #tpu.memory_space<vmem>>, vector<16xf32>,
        %add3A_524 = arith.addf %add3A_500, %get3A_523 : vector<16xf32>
        %add3A_525 = arith.constant 17 : i32
        %add3A_526 = arith.addi %mul3A_117, %add3A_525 : i32
        %get3A_527 = arith.index_cast %add3A_526 : i32 to index
        %get3A_528 = arith.constant 32 : index
        %get3A_529 = tpu.vector_load %arg10[%get3A_527, %get3A_528] {strides = array<i32>} : memref<320x64xf32, #tpu.memory_space<vmem>>, vector<16xf32>,
        %add3A_530 = arith.addf %add3A_506, %get3A_529 : vector<16xf32>
        %add3A_531 = arith.constant 17 : i32
        %add3A_532 = arith.addi %mul3A_117, %add3A_531 : i32
        %get3A_533 = arith.index_cast %add3A_532 : i32 to index
        %get3A_534 = arith.constant 48 : index
        %get3A_535 = tpu.vector_load %arg10[%get3A_533, %get3A_534] {strides = array<i32>} : memref<320x64xf32, #tpu.memory_space<vmem>>, vector<16xf32>,
        %add3A_536 = arith.addf %add3A_512, %get3A_535 : vector<16xf32>
        %add3A_537 = arith.constant 18 : i32
        %add3A_538 = arith.addi %mul3A_117, %add3A_537 : i32
        %get3A_539 = arith.index_cast %add3A_538 : i32 to index
        %get3A_540 = arith.constant 0 : index
        %get3A_541 = tpu.vector_load %arg10[%get3A_539, %get3A_540] {strides = array<i32>} : memref<320x64xf32, #tpu.memory_space<vmem>>, vector<16xf32>,
        %add3A_542 = arith.addf %add3A_518, %get3A_541 : vector<16xf32>
        %add3A_543 = arith.constant 18 : i32
        %add3A_544 = arith.addi %mul3A_117, %add3A_543 : i32
        %get3A_545 = arith.index_cast %add3A_544 : i32 to index
        %get3A_546 = arith.constant 16 : index
        %get3A_547 = tpu.vector_load %arg10[%get3A_545, %get3A_546] {strides = array<i32>} : memref<320x64xf32, #tpu.memory_space<vmem>>, vector<16xf32>,
        %add3A_548 = arith.addf %add3A_524, %get3A_547 : vector<16xf32>
        %add3A_549 = arith.constant 18 : i32
        %add3A_550 = arith.addi %mul3A_117, %add3A_549 : i32
        %get3A_551 = arith.index_cast %add3A_550 : i32 to index
        %get3A_552 = arith.constant 32 : index
        %get3A_553 = tpu.vector_load %arg10[%get3A_551, %get3A_552] {strides = array<i32>} : memref<320x64xf32, #tpu.memory_space<vmem>>, vector<16xf32>,
        %add3A_554 = arith.addf %add3A_530, %get3A_553 : vector<16xf32>
        %add3A_555 = arith.constant 18 : i32
        %add3A_556 = arith.addi %mul3A_117, %add3A_555 : i32
        %get3A_557 = arith.index_cast %add3A_556 : i32 to index
        %get3A_558 = arith.constant 48 : index
        %get3A_559 = tpu.vector_load %arg10[%get3A_557, %get3A_558] {strides = array<i32>} : memref<320x64xf32, #tpu.memory_space<vmem>>, vector<16xf32>,
        %add3A_560 = arith.addf %add3A_536, %get3A_559 : vector<16xf32>
        %add3A_561 = arith.constant 19 : i32
        %add3A_562 = arith.addi %mul3A_117, %add3A_561 : i32
        %get3A_563 = arith.index_cast %add3A_562 : i32 to index
        %get3A_564 = arith.constant 0 : index
        %get3A_565 = tpu.vector_load %arg10[%get3A_563, %get3A_564] {strides = array<i32>} : memref<320x64xf32, #tpu.memory_space<vmem>>, vector<16xf32>,
        %add3A_566 = arith.addf %add3A_542, %get3A_565 : vector<16xf32>
        %add3A_567 = arith.constant 19 : i32
        %add3A_568 = arith.addi %mul3A_117, %add3A_567 : i32
        %get3A_569 = arith.index_cast %add3A_568 : i32 to index
        %get3A_570 = arith.constant 16 : index
        %get3A_571 = tpu.vector_load %arg10[%get3A_569, %get3A_570] {strides = array<i32>} : memref<320x64xf32, #tpu.memory_space<vmem>>, vector<16xf32>,
        %add3A_572 = arith.addf %add3A_548, %get3A_571 : vector<16xf32>
        %add3A_573 = arith.constant 19 : i32
        %add3A_574 = arith.addi %mul3A_117, %add3A_573 : i32
        %get3A_575 = arith.index_cast %add3A_574 : i32 to index
        %get3A_576 = arith.constant 32 : index
        %get3A_577 = tpu.vector_load %arg10[%get3A_575, %get3A_576] {strides = array<i32>} : memref<320x64xf32, #tpu.memory_space<vmem>>, vector<16xf32>,
        %add3A_578 = arith.addf %add3A_554, %get3A_577 : vector<16xf32>
        %add3A_579 = arith.constant 19 : i32
        %add3A_580 = arith.addi %mul3A_117, %add3A_579 : i32
        %get3A_581 = arith.index_cast %add3A_580 : i32 to index
        %get3A_582 = arith.constant 48 : index
        %get3A_583 = tpu.vector_load %arg10[%get3A_581, %get3A_582] {strides = array<i32>} : memref<320x64xf32, #tpu.memory_space<vmem>>, vector<16xf32>,
        %add3A_584 = arith.addf %add3A_560, %get3A_583 : vector<16xf32>
        %mul3A_585 = arith.constant 16 : i32
        %mul3A_586 = arith.muli %mul3A_69, %mul3A_585 : i32
        %add3A_587 = arith.addi %mul3A_586, %scan3A_115 : i32
        %mul3A_588 = arith.constant 5.000000e-02 : f32
        %mul3A_589 = vector.broadcast %mul3A_588 : f32 to vector<16xf32>
        %mul3A_590 = arith.mulf %add3A_566, %mul3A_589 : vector<16xf32>
        %swap3A = arith.index_cast %add3A_587 : i32 to index
        %swap3A_591 = arith.constant 0 : index
        %swap3A_592 = tpu.vector_load %arg12[%swap3A, %swap3A_591] {strides = array<i32>} : memref<512x64xf32, #tpu.memory_space<vmem>>, vector<16xf32>,
        tpu.vector_store %arg12[%swap3A, %swap3A_591], %mul3A_590 {strides = array<i32>} : memref<512x64xf32, #tpu.memory_space<vmem>>, vector<16xf32>,
        %mul3A_593 = arith.constant 5.000000e-02 : f32
        %mul3A_594 = vector.broadcast %mul3A_593 : f32 to vector<16xf32>
        %mul3A_595 = arith.mulf %add3A_572, %mul3A_594 : vector<16xf32>
        %swap3A_596 = arith.index_cast %add3A_587 : i32 to index
        %swap3A_597 = arith.constant 16 : index
        %swap3A_598 = tpu.vector_load %arg12[%swap3A_596, %swap3A_597] {strides = array<i32>} : memref<512x64xf32, #tpu.memory_space<vmem>>, vector<16xf32>,
        tpu.vector_store %arg12[%swap3A_596, %swap3A_597], %mul3A_595 {strides = array<i32>} : memref<512x64xf32, #tpu.memory_space<vmem>>, vector<16xf32>,
        %mul3A_599 = arith.constant 5.000000e-02 : f32
        %mul3A_600 = vector.broadcast %mul3A_599 : f32 to vector<16xf32>
        %mul3A_601 = arith.mulf %add3A_578, %mul3A_600 : vector<16xf32>
        %swap3A_602 = arith.index_cast %add3A_587 : i32 to index
        %swap3A_603 = arith.constant 32 : index
        %swap3A_604 = tpu.vector_load %arg12[%swap3A_602, %swap3A_603] {strides = array<i32>} : memref<512x64xf32, #tpu.memory_space<vmem>>, vector<16xf32>,
        tpu.vector_store %arg12[%swap3A_602, %swap3A_603], %mul3A_601 {strides = array<i32>} : memref<512x64xf32, #tpu.memory_space<vmem>>, vector<16xf32>,
        %mul3A_605 = arith.constant 5.000000e-02 : f32
        %mul3A_606 = vector.broadcast %mul3A_605 : f32 to vector<16xf32>
        %mul3A_607 = arith.mulf %add3A_584, %mul3A_606 : vector<16xf32>
        %swap3A_608 = arith.index_cast %add3A_587 : i32 to index
        %swap3A_609 = arith.constant 48 : index
        %swap3A_610 = tpu.vector_load %arg12[%swap3A_608, %swap3A_609] {strides = array<i32>} : memref<512x64xf32, #tpu.memory_space<vmem>>, vector<16xf32>,
        tpu.vector_store %arg12[%swap3A_608, %swap3A_609], %mul3A_607 {strides = array<i32>} : memref<512x64xf32, #tpu.memory_space<vmem>>, vector<16xf32>,
      }
      %scan3A_90 = arith.constant 16 : i32
      %add3A_91 = arith.constant 2 : i32
      %add3A_92 = arith.addi %mul3A_69, %add3A_91 : i32
      %min3A_93 = arith.constant 31 : i32
      %min3A_94 = arith.minsi %add3A_92, %min3A_93 : i32
      %mul3A_95 = arith.constant 320 : i32
      %mul3A_96 = arith.muli %min3A_94, %mul3A_95 : i32
      %dma_start3A_97 = tpu.memref_slice %arg8[%mul3A_96] : memref<10240xi32, #tpu.memory_space<vmem>> -> memref<320xi32, #tpu.memory_space<vmem>>
      %dma_start3A_98 = arith.constant 0 : i32
      %dma_start3A_99 = arith.constant 0 : i32
      %dma_start3A_100 = tpu.memref_slice %arg4[%dma_start3A_98, %dma_start3A_99] : memref<2000000x64xf32, #tpu.memory_space<hbm>> -> memref<2000000x64xf32, #tpu.memory_space<hbm>>
      tpu.enqueue_indirect_dma source(%dma_start3A_100 : memref<2000000x64xf32, #tpu.memory_space<hbm>>) target(%arg10 : memref<320x64xf32, #tpu.memory_space<vmem>>) offsets(%dma_start3A_97 : memref<320xi32, #tpu.memory_space<vmem>>) semaphore(%arg14 : memref<!tpu.dma_semaphore, #tpu.memory_space<semaphore_mem>>)
      %dma_wait3A_101 = arith.constant 0 : i32
      %dma_wait3A_102 = arith.constant 0 : i32
      %dma_wait3A_103 = tpu.memref_slice %arg4[%dma_wait3A_101, %dma_wait3A_102] : memref<2000000x64xf32, #tpu.memory_space<hbm>> -> memref<320x64xf32, #tpu.memory_space<hbm>>
      %dma_wait3A_104 = arith.constant 0 : i32
      %dma_wait3A_105 = arith.constant 0 : i32
      %dma_wait3A_106 = tpu.memref_slice %arg4[%dma_wait3A_104, %dma_wait3A_105] : memref<2000000x64xf32, #tpu.memory_space<hbm>> -> memref<320x64xf32, #tpu.memory_space<hbm>>
      tpu.wait_dma2 semaphore(%arg15 : memref<!tpu.dma_semaphore, #tpu.memory_space<semaphore_mem>>) src(%dma_wait3A_106 : memref<320x64xf32, #tpu.memory_space<hbm>>) dst(%arg11 : memref<320x64xf32, #tpu.memory_space<vmem>>)
      %add3A_107 = arith.constant 1 : i32
      %add3A_108 = arith.addi %mul3A_69, %add3A_107 : i32
      %scan3A_109 = arith.constant 0 : i32
      %scan3A_110 = arith.constant 0 : i32
      %scan3A_111 = arith.constant 16 : i32
      %scan3A_112 = arith.addi %scan3A_110, %scan3A_111 : i32
      %scan3A_113 = arith.constant 1 : i32
      scf.for %scan3A_115 = %scan3A_110 to %scan3A_112 step %scan3A_113  : i32 {
        %mul3A_116 = arith.constant 20 : i32
        %mul3A_117 = arith.muli %scan3A_115, %mul3A_116 : i32
        %get3A = arith.index_cast %mul3A_117 : i32 to index
        %get3A_118 = arith.constant 0 : index
        %get3A_119 = tpu.vector_load %arg11[%get3A, %get3A_118] {strides = array<i32>} : memref<320x64xf32, #tpu.memory_space<vmem>>, vector<16xf32>,
        %get3A_120 = arith.index_cast %mul3A_117 : i32 to index
        %get3A_121 = arith.constant 16 : index
        %get3A_122 = tpu.vector_load %arg11[%get3A_120, %get3A_121] {strides = array<i32>} : memref<320x64xf32, #tpu.memory_space<vmem>>, vector<16xf32>,
        %get3A_123 = arith.index_cast %mul3A_117 : i32 to index
        %get3A_124 = arith.constant 32 : index
        %get3A_125 = tpu.vector_load %arg11[%get3A_123, %get3A_124] {strides = array<i32>} : memref<320x64xf32, #tpu.memory_space<vmem>>, vector<16xf32>,
        %get3A_126 = arith.index_cast %mul3A_117 : i32 to index
        %get3A_127 = arith.constant 48 : index
        %get3A_128 = tpu.vector_load %arg11[%get3A_126, %get3A_127] {strides = array<i32>} : memref<320x64xf32, #tpu.memory_space<vmem>>, vector<16xf32>,
        %add3A_129 = arith.constant 1 : i32
        %add3A_130 = arith.addi %mul3A_117, %add3A_129 : i32
        %get3A_131 = arith.index_cast %add3A_130 : i32 to index
        %get3A_132 = arith.constant 0 : index
        %get3A_133 = tpu.vector_load %arg11[%get3A_131, %get3A_132] {strides = array<i32>} : memref<320x64xf32, #tpu.memory_space<vmem>>, vector<16xf32>,
        %add3A_134 = arith.addf %get3A_119, %get3A_133 : vector<16xf32>
        %add3A_135 = arith.constant 1 : i32
        %add3A_136 = arith.addi %mul3A_117, %add3A_135 : i32
        %get3A_137 = arith.index_cast %add3A_136 : i32 to index
        %get3A_138 = arith.constant 16 : index
        %get3A_139 = tpu.vector_load %arg11[%get3A_137, %get3A_138] {strides = array<i32>} : memref<320x64xf32, #tpu.memory_space<vmem>>, vector<16xf32>,
        %add3A_140 = arith.addf %get3A_122, %get3A_139 : vector<16xf32>
        %add3A_141 = arith.constant 1 : i32
        %add3A_142 = arith.addi %mul3A_117, %add3A_141 : i32
        %get3A_143 = arith.index_cast %add3A_142 : i32 to index
        %get3A_144 = arith.constant 32 : index
        %get3A_145 = tpu.vector_load %arg11[%get3A_143, %get3A_144] {strides = array<i32>} : memref<320x64xf32, #tpu.memory_space<vmem>>, vector<16xf32>,
        %add3A_146 = arith.addf %get3A_125, %get3A_145 : vector<16xf32>
        %add3A_147 = arith.constant 1 : i32
        %add3A_148 = arith.addi %mul3A_117, %add3A_147 : i32
        %get3A_149 = arith.index_cast %add3A_148 : i32 to index
        %get3A_150 = arith.constant 48 : index
        %get3A_151 = tpu.vector_load %arg11[%get3A_149, %get3A_150] {strides = array<i32>} : memref<320x64xf32, #tpu.memory_space<vmem>>, vector<16xf32>,
        %add3A_152 = arith.addf %get3A_128, %get3A_151 : vector<16xf32>
        %add3A_153 = arith.constant 2 : i32
        %add3A_154 = arith.addi %mul3A_117, %add3A_153 : i32
        %get3A_155 = arith.index_cast %add3A_154 : i32 to index
        %get3A_156 = arith.constant 0 : index
        %get3A_157 = tpu.vector_load %arg11[%get3A_155, %get3A_156] {strides = array<i32>} : memref<320x64xf32, #tpu.memory_space<vmem>>, vector<16xf32>,
        %add3A_158 = arith.addf %add3A_134, %get3A_157 : vector<16xf32>
        %add3A_159 = arith.constant 2 : i32
        %add3A_160 = arith.addi %mul3A_117, %add3A_159 : i32
        %get3A_161 = arith.index_cast %add3A_160 : i32 to index
        %get3A_162 = arith.constant 16 : index
        %get3A_163 = tpu.vector_load %arg11[%get3A_161, %get3A_162] {strides = array<i32>} : memref<320x64xf32, #tpu.memory_space<vmem>>, vector<16xf32>,
        %add3A_164 = arith.addf %add3A_140, %get3A_163 : vector<16xf32>
        %add3A_165 = arith.constant 2 : i32
        %add3A_166 = arith.addi %mul3A_117, %add3A_165 : i32
        %get3A_167 = arith.index_cast %add3A_166 : i32 to index
        %get3A_168 = arith.constant 32 : index
        %get3A_169 = tpu.vector_load %arg11[%get3A_167, %get3A_168] {strides = array<i32>} : memref<320x64xf32, #tpu.memory_space<vmem>>, vector<16xf32>,
        %add3A_170 = arith.addf %add3A_146, %get3A_169 : vector<16xf32>
        %add3A_171 = arith.constant 2 : i32
        %add3A_172 = arith.addi %mul3A_117, %add3A_171 : i32
        %get3A_173 = arith.index_cast %add3A_172 : i32 to index
        %get3A_174 = arith.constant 48 : index
        %get3A_175 = tpu.vector_load %arg11[%get3A_173, %get3A_174] {strides = array<i32>} : memref<320x64xf32, #tpu.memory_space<vmem>>, vector<16xf32>,
        %add3A_176 = arith.addf %add3A_152, %get3A_175 : vector<16xf32>
        %add3A_177 = arith.constant 3 : i32
        %add3A_178 = arith.addi %mul3A_117, %add3A_177 : i32
        %get3A_179 = arith.index_cast %add3A_178 : i32 to index
        %get3A_180 = arith.constant 0 : index
        %get3A_181 = tpu.vector_load %arg11[%get3A_179, %get3A_180] {strides = array<i32>} : memref<320x64xf32, #tpu.memory_space<vmem>>, vector<16xf32>,
        %add3A_182 = arith.addf %add3A_158, %get3A_181 : vector<16xf32>
        %add3A_183 = arith.constant 3 : i32
        %add3A_184 = arith.addi %mul3A_117, %add3A_183 : i32
        %get3A_185 = arith.index_cast %add3A_184 : i32 to index
        %get3A_186 = arith.constant 16 : index
        %get3A_187 = tpu.vector_load %arg11[%get3A_185, %get3A_186] {strides = array<i32>} : memref<320x64xf32, #tpu.memory_space<vmem>>, vector<16xf32>,
        %add3A_188 = arith.addf %add3A_164, %get3A_187 : vector<16xf32>
        %add3A_189 = arith.constant 3 : i32
        %add3A_190 = arith.addi %mul3A_117, %add3A_189 : i32
        %get3A_191 = arith.index_cast %add3A_190 : i32 to index
        %get3A_192 = arith.constant 32 : index
        %get3A_193 = tpu.vector_load %arg11[%get3A_191, %get3A_192] {strides = array<i32>} : memref<320x64xf32, #tpu.memory_space<vmem>>, vector<16xf32>,
        %add3A_194 = arith.addf %add3A_170, %get3A_193 : vector<16xf32>
        %add3A_195 = arith.constant 3 : i32
        %add3A_196 = arith.addi %mul3A_117, %add3A_195 : i32
        %get3A_197 = arith.index_cast %add3A_196 : i32 to index
        %get3A_198 = arith.constant 48 : index
        %get3A_199 = tpu.vector_load %arg11[%get3A_197, %get3A_198] {strides = array<i32>} : memref<320x64xf32, #tpu.memory_space<vmem>>, vector<16xf32>,
        %add3A_200 = arith.addf %add3A_176, %get3A_199 : vector<16xf32>
        %add3A_201 = arith.constant 4 : i32
        %add3A_202 = arith.addi %mul3A_117, %add3A_201 : i32
        %get3A_203 = arith.index_cast %add3A_202 : i32 to index
        %get3A_204 = arith.constant 0 : index
        %get3A_205 = tpu.vector_load %arg11[%get3A_203, %get3A_204] {strides = array<i32>} : memref<320x64xf32, #tpu.memory_space<vmem>>, vector<16xf32>,
        %add3A_206 = arith.addf %add3A_182, %get3A_205 : vector<16xf32>
        %add3A_207 = arith.constant 4 : i32
        %add3A_208 = arith.addi %mul3A_117, %add3A_207 : i32
        %get3A_209 = arith.index_cast %add3A_208 : i32 to index
        %get3A_210 = arith.constant 16 : index
        %get3A_211 = tpu.vector_load %arg11[%get3A_209, %get3A_210] {strides = array<i32>} : memref<320x64xf32, #tpu.memory_space<vmem>>, vector<16xf32>,
        %add3A_212 = arith.addf %add3A_188, %get3A_211 : vector<16xf32>
        %add3A_213 = arith.constant 4 : i32
        %add3A_214 = arith.addi %mul3A_117, %add3A_213 : i32
        %get3A_215 = arith.index_cast %add3A_214 : i32 to index
        %get3A_216 = arith.constant 32 : index
        %get3A_217 = tpu.vector_load %arg11[%get3A_215, %get3A_216] {strides = array<i32>} : memref<320x64xf32, #tpu.memory_space<vmem>>, vector<16xf32>,
        %add3A_218 = arith.addf %add3A_194, %get3A_217 : vector<16xf32>
        %add3A_219 = arith.constant 4 : i32
        %add3A_220 = arith.addi %mul3A_117, %add3A_219 : i32
        %get3A_221 = arith.index_cast %add3A_220 : i32 to index
        %get3A_222 = arith.constant 48 : index
        %get3A_223 = tpu.vector_load %arg11[%get3A_221, %get3A_222] {strides = array<i32>} : memref<320x64xf32, #tpu.memory_space<vmem>>, vector<16xf32>,
        %add3A_224 = arith.addf %add3A_200, %get3A_223 : vector<16xf32>
        %add3A_225 = arith.constant 5 : i32
        %add3A_226 = arith.addi %mul3A_117, %add3A_225 : i32
        %get3A_227 = arith.index_cast %add3A_226 : i32 to index
        %get3A_228 = arith.constant 0 : index
        %get3A_229 = tpu.vector_load %arg11[%get3A_227, %get3A_228] {strides = array<i32>} : memref<320x64xf32, #tpu.memory_space<vmem>>, vector<16xf32>,
        %add3A_230 = arith.addf %add3A_206, %get3A_229 : vector<16xf32>
        %add3A_231 = arith.constant 5 : i32
        %add3A_232 = arith.addi %mul3A_117, %add3A_231 : i32
        %get3A_233 = arith.index_cast %add3A_232 : i32 to index
        %get3A_234 = arith.constant 16 : index
        %get3A_235 = tpu.vector_load %arg11[%get3A_233, %get3A_234] {strides = array<i32>} : memref<320x64xf32, #tpu.memory_space<vmem>>, vector<16xf32>,
        %add3A_236 = arith.addf %add3A_212, %get3A_235 : vector<16xf32>
        %add3A_237 = arith.constant 5 : i32
        %add3A_238 = arith.addi %mul3A_117, %add3A_237 : i32
        %get3A_239 = arith.index_cast %add3A_238 : i32 to index
        %get3A_240 = arith.constant 32 : index
        %get3A_241 = tpu.vector_load %arg11[%get3A_239, %get3A_240] {strides = array<i32>} : memref<320x64xf32, #tpu.memory_space<vmem>>, vector<16xf32>,
        %add3A_242 = arith.addf %add3A_218, %get3A_241 : vector<16xf32>
        %add3A_243 = arith.constant 5 : i32
        %add3A_244 = arith.addi %mul3A_117, %add3A_243 : i32
        %get3A_245 = arith.index_cast %add3A_244 : i32 to index
        %get3A_246 = arith.constant 48 : index
        %get3A_247 = tpu.vector_load %arg11[%get3A_245, %get3A_246] {strides = array<i32>} : memref<320x64xf32, #tpu.memory_space<vmem>>, vector<16xf32>,
        %add3A_248 = arith.addf %add3A_224, %get3A_247 : vector<16xf32>
        %add3A_249 = arith.constant 6 : i32
        %add3A_250 = arith.addi %mul3A_117, %add3A_249 : i32
        %get3A_251 = arith.index_cast %add3A_250 : i32 to index
        %get3A_252 = arith.constant 0 : index
        %get3A_253 = tpu.vector_load %arg11[%get3A_251, %get3A_252] {strides = array<i32>} : memref<320x64xf32, #tpu.memory_space<vmem>>, vector<16xf32>,
        %add3A_254 = arith.addf %add3A_230, %get3A_253 : vector<16xf32>
        %add3A_255 = arith.constant 6 : i32
        %add3A_256 = arith.addi %mul3A_117, %add3A_255 : i32
        %get3A_257 = arith.index_cast %add3A_256 : i32 to index
        %get3A_258 = arith.constant 16 : index
        %get3A_259 = tpu.vector_load %arg11[%get3A_257, %get3A_258] {strides = array<i32>} : memref<320x64xf32, #tpu.memory_space<vmem>>, vector<16xf32>,
        %add3A_260 = arith.addf %add3A_236, %get3A_259 : vector<16xf32>
        %add3A_261 = arith.constant 6 : i32
        %add3A_262 = arith.addi %mul3A_117, %add3A_261 : i32
        %get3A_263 = arith.index_cast %add3A_262 : i32 to index
        %get3A_264 = arith.constant 32 : index
        %get3A_265 = tpu.vector_load %arg11[%get3A_263, %get3A_264] {strides = array<i32>} : memref<320x64xf32, #tpu.memory_space<vmem>>, vector<16xf32>,
        %add3A_266 = arith.addf %add3A_242, %get3A_265 : vector<16xf32>
        %add3A_267 = arith.constant 6 : i32
        %add3A_268 = arith.addi %mul3A_117, %add3A_267 : i32
        %get3A_269 = arith.index_cast %add3A_268 : i32 to index
        %get3A_270 = arith.constant 48 : index
        %get3A_271 = tpu.vector_load %arg11[%get3A_269, %get3A_270] {strides = array<i32>} : memref<320x64xf32, #tpu.memory_space<vmem>>, vector<16xf32>,
        %add3A_272 = arith.addf %add3A_248, %get3A_271 : vector<16xf32>
        %add3A_273 = arith.constant 7 : i32
        %add3A_274 = arith.addi %mul3A_117, %add3A_273 : i32
        %get3A_275 = arith.index_cast %add3A_274 : i32 to index
        %get3A_276 = arith.constant 0 : index
        %get3A_277 = tpu.vector_load %arg11[%get3A_275, %get3A_276] {strides = array<i32>} : memref<320x64xf32, #tpu.memory_space<vmem>>, vector<16xf32>,
        %add3A_278 = arith.addf %add3A_254, %get3A_277 : vector<16xf32>
        %add3A_279 = arith.constant 7 : i32
        %add3A_280 = arith.addi %mul3A_117, %add3A_279 : i32
        %get3A_281 = arith.index_cast %add3A_280 : i32 to index
        %get3A_282 = arith.constant 16 : index
        %get3A_283 = tpu.vector_load %arg11[%get3A_281, %get3A_282] {strides = array<i32>} : memref<320x64xf32, #tpu.memory_space<vmem>>, vector<16xf32>,
        %add3A_284 = arith.addf %add3A_260, %get3A_283 : vector<16xf32>
        %add3A_285 = arith.constant 7 : i32
        %add3A_286 = arith.addi %mul3A_117, %add3A_285 : i32
        %get3A_287 = arith.index_cast %add3A_286 : i32 to index
        %get3A_288 = arith.constant 32 : index
        %get3A_289 = tpu.vector_load %arg11[%get3A_287, %get3A_288] {strides = array<i32>} : memref<320x64xf32, #tpu.memory_space<vmem>>, vector<16xf32>,
        %add3A_290 = arith.addf %add3A_266, %get3A_289 : vector<16xf32>
        %add3A_291 = arith.constant 7 : i32
        %add3A_292 = arith.addi %mul3A_117, %add3A_291 : i32
        %get3A_293 = arith.index_cast %add3A_292 : i32 to index
        %get3A_294 = arith.constant 48 : index
        %get3A_295 = tpu.vector_load %arg11[%get3A_293, %get3A_294] {strides = array<i32>} : memref<320x64xf32, #tpu.memory_space<vmem>>, vector<16xf32>,
        %add3A_296 = arith.addf %add3A_272, %get3A_295 : vector<16xf32>
        %add3A_297 = arith.constant 8 : i32
        %add3A_298 = arith.addi %mul3A_117, %add3A_297 : i32
        %get3A_299 = arith.index_cast %add3A_298 : i32 to index
        %get3A_300 = arith.constant 0 : index
        %get3A_301 = tpu.vector_load %arg11[%get3A_299, %get3A_300] {strides = array<i32>} : memref<320x64xf32, #tpu.memory_space<vmem>>, vector<16xf32>,
        %add3A_302 = arith.addf %add3A_278, %get3A_301 : vector<16xf32>
        %add3A_303 = arith.constant 8 : i32
        %add3A_304 = arith.addi %mul3A_117, %add3A_303 : i32
        %get3A_305 = arith.index_cast %add3A_304 : i32 to index
        %get3A_306 = arith.constant 16 : index
        %get3A_307 = tpu.vector_load %arg11[%get3A_305, %get3A_306] {strides = array<i32>} : memref<320x64xf32, #tpu.memory_space<vmem>>, vector<16xf32>,
        %add3A_308 = arith.addf %add3A_284, %get3A_307 : vector<16xf32>
        %add3A_309 = arith.constant 8 : i32
        %add3A_310 = arith.addi %mul3A_117, %add3A_309 : i32
        %get3A_311 = arith.index_cast %add3A_310 : i32 to index
        %get3A_312 = arith.constant 32 : index
        %get3A_313 = tpu.vector_load %arg11[%get3A_311, %get3A_312] {strides = array<i32>} : memref<320x64xf32, #tpu.memory_space<vmem>>, vector<16xf32>,
        %add3A_314 = arith.addf %add3A_290, %get3A_313 : vector<16xf32>
        %add3A_315 = arith.constant 8 : i32
        %add3A_316 = arith.addi %mul3A_117, %add3A_315 : i32
        %get3A_317 = arith.index_cast %add3A_316 : i32 to index
        %get3A_318 = arith.constant 48 : index
        %get3A_319 = tpu.vector_load %arg11[%get3A_317, %get3A_318] {strides = array<i32>} : memref<320x64xf32, #tpu.memory_space<vmem>>, vector<16xf32>,
        %add3A_320 = arith.addf %add3A_296, %get3A_319 : vector<16xf32>
        %add3A_321 = arith.constant 9 : i32
        %add3A_322 = arith.addi %mul3A_117, %add3A_321 : i32
        %get3A_323 = arith.index_cast %add3A_322 : i32 to index
        %get3A_324 = arith.constant 0 : index
        %get3A_325 = tpu.vector_load %arg11[%get3A_323, %get3A_324] {strides = array<i32>} : memref<320x64xf32, #tpu.memory_space<vmem>>, vector<16xf32>,
        %add3A_326 = arith.addf %add3A_302, %get3A_325 : vector<16xf32>
        %add3A_327 = arith.constant 9 : i32
        %add3A_328 = arith.addi %mul3A_117, %add3A_327 : i32
        %get3A_329 = arith.index_cast %add3A_328 : i32 to index
        %get3A_330 = arith.constant 16 : index
        %get3A_331 = tpu.vector_load %arg11[%get3A_329, %get3A_330] {strides = array<i32>} : memref<320x64xf32, #tpu.memory_space<vmem>>, vector<16xf32>,
        %add3A_332 = arith.addf %add3A_308, %get3A_331 : vector<16xf32>
        %add3A_333 = arith.constant 9 : i32
        %add3A_334 = arith.addi %mul3A_117, %add3A_333 : i32
        %get3A_335 = arith.index_cast %add3A_334 : i32 to index
        %get3A_336 = arith.constant 32 : index
        %get3A_337 = tpu.vector_load %arg11[%get3A_335, %get3A_336] {strides = array<i32>} : memref<320x64xf32, #tpu.memory_space<vmem>>, vector<16xf32>,
        %add3A_338 = arith.addf %add3A_314, %get3A_337 : vector<16xf32>
        %add3A_339 = arith.constant 9 : i32
        %add3A_340 = arith.addi %mul3A_117, %add3A_339 : i32
        %get3A_341 = arith.index_cast %add3A_340 : i32 to index
        %get3A_342 = arith.constant 48 : index
        %get3A_343 = tpu.vector_load %arg11[%get3A_341, %get3A_342] {strides = array<i32>} : memref<320x64xf32, #tpu.memory_space<vmem>>, vector<16xf32>,
        %add3A_344 = arith.addf %add3A_320, %get3A_343 : vector<16xf32>
        %add3A_345 = arith.constant 10 : i32
        %add3A_346 = arith.addi %mul3A_117, %add3A_345 : i32
        %get3A_347 = arith.index_cast %add3A_346 : i32 to index
        %get3A_348 = arith.constant 0 : index
        %get3A_349 = tpu.vector_load %arg11[%get3A_347, %get3A_348] {strides = array<i32>} : memref<320x64xf32, #tpu.memory_space<vmem>>, vector<16xf32>,
        %add3A_350 = arith.addf %add3A_326, %get3A_349 : vector<16xf32>
        %add3A_351 = arith.constant 10 : i32
        %add3A_352 = arith.addi %mul3A_117, %add3A_351 : i32
        %get3A_353 = arith.index_cast %add3A_352 : i32 to index
        %get3A_354 = arith.constant 16 : index
        %get3A_355 = tpu.vector_load %arg11[%get3A_353, %get3A_354] {strides = array<i32>} : memref<320x64xf32, #tpu.memory_space<vmem>>, vector<16xf32>,
        %add3A_356 = arith.addf %add3A_332, %get3A_355 : vector<16xf32>
        %add3A_357 = arith.constant 10 : i32
        %add3A_358 = arith.addi %mul3A_117, %add3A_357 : i32
        %get3A_359 = arith.index_cast %add3A_358 : i32 to index
        %get3A_360 = arith.constant 32 : index
        %get3A_361 = tpu.vector_load %arg11[%get3A_359, %get3A_360] {strides = array<i32>} : memref<320x64xf32, #tpu.memory_space<vmem>>, vector<16xf32>,
        %add3A_362 = arith.addf %add3A_338, %get3A_361 : vector<16xf32>
        %add3A_363 = arith.constant 10 : i32
        %add3A_364 = arith.addi %mul3A_117, %add3A_363 : i32
        %get3A_365 = arith.index_cast %add3A_364 : i32 to index
        %get3A_366 = arith.constant 48 : index
        %get3A_367 = tpu.vector_load %arg11[%get3A_365, %get3A_366] {strides = array<i32>} : memref<320x64xf32, #tpu.memory_space<vmem>>, vector<16xf32>,
        %add3A_368 = arith.addf %add3A_344, %get3A_367 : vector<16xf32>
        %add3A_369 = arith.constant 11 : i32
        %add3A_370 = arith.addi %mul3A_117, %add3A_369 : i32
        %get3A_371 = arith.index_cast %add3A_370 : i32 to index
        %get3A_372 = arith.constant 0 : index
        %get3A_373 = tpu.vector_load %arg11[%get3A_371, %get3A_372] {strides = array<i32>} : memref<320x64xf32, #tpu.memory_space<vmem>>, vector<16xf32>,
        %add3A_374 = arith.addf %add3A_350, %get3A_373 : vector<16xf32>
        %add3A_375 = arith.constant 11 : i32
        %add3A_376 = arith.addi %mul3A_117, %add3A_375 : i32
        %get3A_377 = arith.index_cast %add3A_376 : i32 to index
        %get3A_378 = arith.constant 16 : index
        %get3A_379 = tpu.vector_load %arg11[%get3A_377, %get3A_378] {strides = array<i32>} : memref<320x64xf32, #tpu.memory_space<vmem>>, vector<16xf32>,
        %add3A_380 = arith.addf %add3A_356, %get3A_379 : vector<16xf32>
        %add3A_381 = arith.constant 11 : i32
        %add3A_382 = arith.addi %mul3A_117, %add3A_381 : i32
        %get3A_383 = arith.index_cast %add3A_382 : i32 to index
        %get3A_384 = arith.constant 32 : index
        %get3A_385 = tpu.vector_load %arg11[%get3A_383, %get3A_384] {strides = array<i32>} : memref<320x64xf32, #tpu.memory_space<vmem>>, vector<16xf32>,
        %add3A_386 = arith.addf %add3A_362, %get3A_385 : vector<16xf32>
        %add3A_387 = arith.constant 11 : i32
        %add3A_388 = arith.addi %mul3A_117, %add3A_387 : i32
        %get3A_389 = arith.index_cast %add3A_388 : i32 to index
        %get3A_390 = arith.constant 48 : index
        %get3A_391 = tpu.vector_load %arg11[%get3A_389, %get3A_390] {strides = array<i32>} : memref<320x64xf32, #tpu.memory_space<vmem>>, vector<16xf32>,
        %add3A_392 = arith.addf %add3A_368, %get3A_391 : vector<16xf32>
        %add3A_393 = arith.constant 12 : i32
        %add3A_394 = arith.addi %mul3A_117, %add3A_393 : i32
        %get3A_395 = arith.index_cast %add3A_394 : i32 to index
        %get3A_396 = arith.constant 0 : index
        %get3A_397 = tpu.vector_load %arg11[%get3A_395, %get3A_396] {strides = array<i32>} : memref<320x64xf32, #tpu.memory_space<vmem>>, vector<16xf32>,
        %add3A_398 = arith.addf %add3A_374, %get3A_397 : vector<16xf32>
        %add3A_399 = arith.constant 12 : i32
        %add3A_400 = arith.addi %mul3A_117, %add3A_399 : i32
        %get3A_401 = arith.index_cast %add3A_400 : i32 to index
        %get3A_402 = arith.constant 16 : index
        %get3A_403 = tpu.vector_load %arg11[%get3A_401, %get3A_402] {strides = array<i32>} : memref<320x64xf32, #tpu.memory_space<vmem>>, vector<16xf32>,
        %add3A_404 = arith.addf %add3A_380, %get3A_403 : vector<16xf32>
        %add3A_405 = arith.constant 12 : i32
        %add3A_406 = arith.addi %mul3A_117, %add3A_405 : i32
        %get3A_407 = arith.index_cast %add3A_406 : i32 to index
        %get3A_408 = arith.constant 32 : index
        %get3A_409 = tpu.vector_load %arg11[%get3A_407, %get3A_408] {strides = array<i32>} : memref<320x64xf32, #tpu.memory_space<vmem>>, vector<16xf32>,
        %add3A_410 = arith.addf %add3A_386, %get3A_409 : vector<16xf32>
        %add3A_411 = arith.constant 12 : i32
        %add3A_412 = arith.addi %mul3A_117, %add3A_411 : i32
        %get3A_413 = arith.index_cast %add3A_412 : i32 to index
        %get3A_414 = arith.constant 48 : index
        %get3A_415 = tpu.vector_load %arg11[%get3A_413, %get3A_414] {strides = array<i32>} : memref<320x64xf32, #tpu.memory_space<vmem>>, vector<16xf32>,
        %add3A_416 = arith.addf %add3A_392, %get3A_415 : vector<16xf32>
        %add3A_417 = arith.constant 13 : i32
        %add3A_418 = arith.addi %mul3A_117, %add3A_417 : i32
        %get3A_419 = arith.index_cast %add3A_418 : i32 to index
        %get3A_420 = arith.constant 0 : index
        %get3A_421 = tpu.vector_load %arg11[%get3A_419, %get3A_420] {strides = array<i32>} : memref<320x64xf32, #tpu.memory_space<vmem>>, vector<16xf32>,
        %add3A_422 = arith.addf %add3A_398, %get3A_421 : vector<16xf32>
        %add3A_423 = arith.constant 13 : i32
        %add3A_424 = arith.addi %mul3A_117, %add3A_423 : i32
        %get3A_425 = arith.index_cast %add3A_424 : i32 to index
        %get3A_426 = arith.constant 16 : index
        %get3A_427 = tpu.vector_load %arg11[%get3A_425, %get3A_426] {strides = array<i32>} : memref<320x64xf32, #tpu.memory_space<vmem>>, vector<16xf32>,
        %add3A_428 = arith.addf %add3A_404, %get3A_427 : vector<16xf32>
        %add3A_429 = arith.constant 13 : i32
        %add3A_430 = arith.addi %mul3A_117, %add3A_429 : i32
        %get3A_431 = arith.index_cast %add3A_430 : i32 to index
        %get3A_432 = arith.constant 32 : index
        %get3A_433 = tpu.vector_load %arg11[%get3A_431, %get3A_432] {strides = array<i32>} : memref<320x64xf32, #tpu.memory_space<vmem>>, vector<16xf32>,
        %add3A_434 = arith.addf %add3A_410, %get3A_433 : vector<16xf32>
        %add3A_435 = arith.constant 13 : i32
        %add3A_436 = arith.addi %mul3A_117, %add3A_435 : i32
        %get3A_437 = arith.index_cast %add3A_436 : i32 to index
        %get3A_438 = arith.constant 48 : index
        %get3A_439 = tpu.vector_load %arg11[%get3A_437, %get3A_438] {strides = array<i32>} : memref<320x64xf32, #tpu.memory_space<vmem>>, vector<16xf32>,
        %add3A_440 = arith.addf %add3A_416, %get3A_439 : vector<16xf32>
        %add3A_441 = arith.constant 14 : i32
        %add3A_442 = arith.addi %mul3A_117, %add3A_441 : i32
        %get3A_443 = arith.index_cast %add3A_442 : i32 to index
        %get3A_444 = arith.constant 0 : index
        %get3A_445 = tpu.vector_load %arg11[%get3A_443, %get3A_444] {strides = array<i32>} : memref<320x64xf32, #tpu.memory_space<vmem>>, vector<16xf32>,
        %add3A_446 = arith.addf %add3A_422, %get3A_445 : vector<16xf32>
        %add3A_447 = arith.constant 14 : i32
        %add3A_448 = arith.addi %mul3A_117, %add3A_447 : i32
        %get3A_449 = arith.index_cast %add3A_448 : i32 to index
        %get3A_450 = arith.constant 16 : index
        %get3A_451 = tpu.vector_load %arg11[%get3A_449, %get3A_450] {strides = array<i32>} : memref<320x64xf32, #tpu.memory_space<vmem>>, vector<16xf32>,
        %add3A_452 = arith.addf %add3A_428, %get3A_451 : vector<16xf32>
        %add3A_453 = arith.constant 14 : i32
        %add3A_454 = arith.addi %mul3A_117, %add3A_453 : i32
        %get3A_455 = arith.index_cast %add3A_454 : i32 to index
        %get3A_456 = arith.constant 32 : index
        %get3A_457 = tpu.vector_load %arg11[%get3A_455, %get3A_456] {strides = array<i32>} : memref<320x64xf32, #tpu.memory_space<vmem>>, vector<16xf32>,
        %add3A_458 = arith.addf %add3A_434, %get3A_457 : vector<16xf32>
        %add3A_459 = arith.constant 14 : i32
        %add3A_460 = arith.addi %mul3A_117, %add3A_459 : i32
        %get3A_461 = arith.index_cast %add3A_460 : i32 to index
        %get3A_462 = arith.constant 48 : index
        %get3A_463 = tpu.vector_load %arg11[%get3A_461, %get3A_462] {strides = array<i32>} : memref<320x64xf32, #tpu.memory_space<vmem>>, vector<16xf32>,
        %add3A_464 = arith.addf %add3A_440, %get3A_463 : vector<16xf32>
        %add3A_465 = arith.constant 15 : i32
        %add3A_466 = arith.addi %mul3A_117, %add3A_465 : i32
        %get3A_467 = arith.index_cast %add3A_466 : i32 to index
        %get3A_468 = arith.constant 0 : index
        %get3A_469 = tpu.vector_load %arg11[%get3A_467, %get3A_468] {strides = array<i32>} : memref<320x64xf32, #tpu.memory_space<vmem>>, vector<16xf32>,
        %add3A_470 = arith.addf %add3A_446, %get3A_469 : vector<16xf32>
        %add3A_471 = arith.constant 15 : i32
        %add3A_472 = arith.addi %mul3A_117, %add3A_471 : i32
        %get3A_473 = arith.index_cast %add3A_472 : i32 to index
        %get3A_474 = arith.constant 16 : index
        %get3A_475 = tpu.vector_load %arg11[%get3A_473, %get3A_474] {strides = array<i32>} : memref<320x64xf32, #tpu.memory_space<vmem>>, vector<16xf32>,
        %add3A_476 = arith.addf %add3A_452, %get3A_475 : vector<16xf32>
        %add3A_477 = arith.constant 15 : i32
        %add3A_478 = arith.addi %mul3A_117, %add3A_477 : i32
        %get3A_479 = arith.index_cast %add3A_478 : i32 to index
        %get3A_480 = arith.constant 32 : index
        %get3A_481 = tpu.vector_load %arg11[%get3A_479, %get3A_480] {strides = array<i32>} : memref<320x64xf32, #tpu.memory_space<vmem>>, vector<16xf32>,
        %add3A_482 = arith.addf %add3A_458, %get3A_481 : vector<16xf32>
        %add3A_483 = arith.constant 15 : i32
        %add3A_484 = arith.addi %mul3A_117, %add3A_483 : i32
        %get3A_485 = arith.index_cast %add3A_484 : i32 to index
        %get3A_486 = arith.constant 48 : index
        %get3A_487 = tpu.vector_load %arg11[%get3A_485, %get3A_486] {strides = array<i32>} : memref<320x64xf32, #tpu.memory_space<vmem>>, vector<16xf32>,
        %add3A_488 = arith.addf %add3A_464, %get3A_487 : vector<16xf32>
        %add3A_489 = arith.constant 16 : i32
        %add3A_490 = arith.addi %mul3A_117, %add3A_489 : i32
        %get3A_491 = arith.index_cast %add3A_490 : i32 to index
        %get3A_492 = arith.constant 0 : index
        %get3A_493 = tpu.vector_load %arg11[%get3A_491, %get3A_492] {strides = array<i32>} : memref<320x64xf32, #tpu.memory_space<vmem>>, vector<16xf32>,
        %add3A_494 = arith.addf %add3A_470, %get3A_493 : vector<16xf32>
        %add3A_495 = arith.constant 16 : i32
        %add3A_496 = arith.addi %mul3A_117, %add3A_495 : i32
        %get3A_497 = arith.index_cast %add3A_496 : i32 to index
        %get3A_498 = arith.constant 16 : index
        %get3A_499 = tpu.vector_load %arg11[%get3A_497, %get3A_498] {strides = array<i32>} : memref<320x64xf32, #tpu.memory_space<vmem>>, vector<16xf32>,
        %add3A_500 = arith.addf %add3A_476, %get3A_499 : vector<16xf32>
        %add3A_501 = arith.constant 16 : i32
        %add3A_502 = arith.addi %mul3A_117, %add3A_501 : i32
        %get3A_503 = arith.index_cast %add3A_502 : i32 to index
        %get3A_504 = arith.constant 32 : index
        %get3A_505 = tpu.vector_load %arg11[%get3A_503, %get3A_504] {strides = array<i32>} : memref<320x64xf32, #tpu.memory_space<vmem>>, vector<16xf32>,
        %add3A_506 = arith.addf %add3A_482, %get3A_505 : vector<16xf32>
        %add3A_507 = arith.constant 16 : i32
        %add3A_508 = arith.addi %mul3A_117, %add3A_507 : i32
        %get3A_509 = arith.index_cast %add3A_508 : i32 to index
        %get3A_510 = arith.constant 48 : index
        %get3A_511 = tpu.vector_load %arg11[%get3A_509, %get3A_510] {strides = array<i32>} : memref<320x64xf32, #tpu.memory_space<vmem>>, vector<16xf32>,
        %add3A_512 = arith.addf %add3A_488, %get3A_511 : vector<16xf32>
        %add3A_513 = arith.constant 17 : i32
        %add3A_514 = arith.addi %mul3A_117, %add3A_513 : i32
        %get3A_515 = arith.index_cast %add3A_514 : i32 to index
        %get3A_516 = arith.constant 0 : index
        %get3A_517 = tpu.vector_load %arg11[%get3A_515, %get3A_516] {strides = array<i32>} : memref<320x64xf32, #tpu.memory_space<vmem>>, vector<16xf32>,
        %add3A_518 = arith.addf %add3A_494, %get3A_517 : vector<16xf32>
        %add3A_519 = arith.constant 17 : i32
        %add3A_520 = arith.addi %mul3A_117, %add3A_519 : i32
        %get3A_521 = arith.index_cast %add3A_520 : i32 to index
        %get3A_522 = arith.constant 16 : index
        %get3A_523 = tpu.vector_load %arg11[%get3A_521, %get3A_522] {strides = array<i32>} : memref<320x64xf32, #tpu.memory_space<vmem>>, vector<16xf32>,
        %add3A_524 = arith.addf %add3A_500, %get3A_523 : vector<16xf32>
        %add3A_525 = arith.constant 17 : i32
        %add3A_526 = arith.addi %mul3A_117, %add3A_525 : i32
        %get3A_527 = arith.index_cast %add3A_526 : i32 to index
        %get3A_528 = arith.constant 32 : index
        %get3A_529 = tpu.vector_load %arg11[%get3A_527, %get3A_528] {strides = array<i32>} : memref<320x64xf32, #tpu.memory_space<vmem>>, vector<16xf32>,
        %add3A_530 = arith.addf %add3A_506, %get3A_529 : vector<16xf32>
        %add3A_531 = arith.constant 17 : i32
        %add3A_532 = arith.addi %mul3A_117, %add3A_531 : i32
        %get3A_533 = arith.index_cast %add3A_532 : i32 to index
        %get3A_534 = arith.constant 48 : index
        %get3A_535 = tpu.vector_load %arg11[%get3A_533, %get3A_534] {strides = array<i32>} : memref<320x64xf32, #tpu.memory_space<vmem>>, vector<16xf32>,
        %add3A_536 = arith.addf %add3A_512, %get3A_535 : vector<16xf32>
        %add3A_537 = arith.constant 18 : i32
        %add3A_538 = arith.addi %mul3A_117, %add3A_537 : i32
        %get3A_539 = arith.index_cast %add3A_538 : i32 to index
        %get3A_540 = arith.constant 0 : index
        %get3A_541 = tpu.vector_load %arg11[%get3A_539, %get3A_540] {strides = array<i32>} : memref<320x64xf32, #tpu.memory_space<vmem>>, vector<16xf32>,
        %add3A_542 = arith.addf %add3A_518, %get3A_541 : vector<16xf32>
        %add3A_543 = arith.constant 18 : i32
        %add3A_544 = arith.addi %mul3A_117, %add3A_543 : i32
        %get3A_545 = arith.index_cast %add3A_544 : i32 to index
        %get3A_546 = arith.constant 16 : index
        %get3A_547 = tpu.vector_load %arg11[%get3A_545, %get3A_546] {strides = array<i32>} : memref<320x64xf32, #tpu.memory_space<vmem>>, vector<16xf32>,
        %add3A_548 = arith.addf %add3A_524, %get3A_547 : vector<16xf32>
        %add3A_549 = arith.constant 18 : i32
        %add3A_550 = arith.addi %mul3A_117, %add3A_549 : i32
        %get3A_551 = arith.index_cast %add3A_550 : i32 to index
        %get3A_552 = arith.constant 32 : index
        %get3A_553 = tpu.vector_load %arg11[%get3A_551, %get3A_552] {strides = array<i32>} : memref<320x64xf32, #tpu.memory_space<vmem>>, vector<16xf32>,
        %add3A_554 = arith.addf %add3A_530, %get3A_553 : vector<16xf32>
        %add3A_555 = arith.constant 18 : i32
        %add3A_556 = arith.addi %mul3A_117, %add3A_555 : i32
        %get3A_557 = arith.index_cast %add3A_556 : i32 to index
        %get3A_558 = arith.constant 48 : index
        %get3A_559 = tpu.vector_load %arg11[%get3A_557, %get3A_558] {strides = array<i32>} : memref<320x64xf32, #tpu.memory_space<vmem>>, vector<16xf32>,
        %add3A_560 = arith.addf %add3A_536, %get3A_559 : vector<16xf32>
        %add3A_561 = arith.constant 19 : i32
        %add3A_562 = arith.addi %mul3A_117, %add3A_561 : i32
        %get3A_563 = arith.index_cast %add3A_562 : i32 to index
        %get3A_564 = arith.constant 0 : index
        %get3A_565 = tpu.vector_load %arg11[%get3A_563, %get3A_564] {strides = array<i32>} : memref<320x64xf32, #tpu.memory_space<vmem>>, vector<16xf32>,
        %add3A_566 = arith.addf %add3A_542, %get3A_565 : vector<16xf32>
        %add3A_567 = arith.constant 19 : i32
        %add3A_568 = arith.addi %mul3A_117, %add3A_567 : i32
        %get3A_569 = arith.index_cast %add3A_568 : i32 to index
        %get3A_570 = arith.constant 16 : index
        %get3A_571 = tpu.vector_load %arg11[%get3A_569, %get3A_570] {strides = array<i32>} : memref<320x64xf32, #tpu.memory_space<vmem>>, vector<16xf32>,
        %add3A_572 = arith.addf %add3A_548, %get3A_571 : vector<16xf32>
        %add3A_573 = arith.constant 19 : i32
        %add3A_574 = arith.addi %mul3A_117, %add3A_573 : i32
        %get3A_575 = arith.index_cast %add3A_574 : i32 to index
        %get3A_576 = arith.constant 32 : index
        %get3A_577 = tpu.vector_load %arg11[%get3A_575, %get3A_576] {strides = array<i32>} : memref<320x64xf32, #tpu.memory_space<vmem>>, vector<16xf32>,
        %add3A_578 = arith.addf %add3A_554, %get3A_577 : vector<16xf32>
        %add3A_579 = arith.constant 19 : i32
        %add3A_580 = arith.addi %mul3A_117, %add3A_579 : i32
        %get3A_581 = arith.index_cast %add3A_580 : i32 to index
        %get3A_582 = arith.constant 48 : index
        %get3A_583 = tpu.vector_load %arg11[%get3A_581, %get3A_582] {strides = array<i32>} : memref<320x64xf32, #tpu.memory_space<vmem>>, vector<16xf32>,
        %add3A_584 = arith.addf %add3A_560, %get3A_583 : vector<16xf32>
        %mul3A_585 = arith.constant 16 : i32
        %mul3A_586 = arith.muli %add3A_108, %mul3A_585 : i32
        %add3A_587 = arith.addi %mul3A_586, %scan3A_115 : i32
        %mul3A_588 = arith.constant 5.000000e-02 : f32
        %mul3A_589 = vector.broadcast %mul3A_588 : f32 to vector<16xf32>
        %mul3A_590 = arith.mulf %add3A_566, %mul3A_589 : vector<16xf32>
        %swap3A = arith.index_cast %add3A_587 : i32 to index
        %swap3A_591 = arith.constant 0 : index
        %swap3A_592 = tpu.vector_load %arg12[%swap3A, %swap3A_591] {strides = array<i32>} : memref<512x64xf32, #tpu.memory_space<vmem>>, vector<16xf32>,
        tpu.vector_store %arg12[%swap3A, %swap3A_591], %mul3A_590 {strides = array<i32>} : memref<512x64xf32, #tpu.memory_space<vmem>>, vector<16xf32>,
        %mul3A_593 = arith.constant 5.000000e-02 : f32
        %mul3A_594 = vector.broadcast %mul3A_593 : f32 to vector<16xf32>
        %mul3A_595 = arith.mulf %add3A_572, %mul3A_594 : vector<16xf32>
        %swap3A_596 = arith.index_cast %add3A_587 : i32 to index
        %swap3A_597 = arith.constant 16 : index
        %swap3A_598 = tpu.vector_load %arg12[%swap3A_596, %swap3A_597] {strides = array<i32>} : memref<512x64xf32, #tpu.memory_space<vmem>>, vector<16xf32>,
        tpu.vector_store %arg12[%swap3A_596, %swap3A_597], %mul3A_595 {strides = array<i32>} : memref<512x64xf32, #tpu.memory_space<vmem>>, vector<16xf32>,
        %mul3A_599 = arith.constant 5.000000e-02 : f32
        %mul3A_600 = vector.broadcast %mul3A_599 : f32 to vector<16xf32>
        %mul3A_601 = arith.mulf %add3A_578, %mul3A_600 : vector<16xf32>
        %swap3A_602 = arith.index_cast %add3A_587 : i32 to index
        %swap3A_603 = arith.constant 32 : index
        %swap3A_604 = tpu.vector_load %arg12[%swap3A_602, %swap3A_603] {strides = array<i32>} : memref<512x64xf32, #tpu.memory_space<vmem>>, vector<16xf32>,
        tpu.vector_store %arg12[%swap3A_602, %swap3A_603], %mul3A_601 {strides = array<i32>} : memref<512x64xf32, #tpu.memory_space<vmem>>, vector<16xf32>,
        %mul3A_605 = arith.constant 5.000000e-02 : f32
        %mul3A_606 = vector.broadcast %mul3A_605 : f32 to vector<16xf32>
        %mul3A_607 = arith.mulf %add3A_584, %mul3A_606 : vector<16xf32>
        %swap3A_608 = arith.index_cast %add3A_587 : i32 to index
        %swap3A_609 = arith.constant 48 : index
        %swap3A_610 = tpu.vector_load %arg12[%swap3A_608, %swap3A_609] {strides = array<i32>} : memref<512x64xf32, #tpu.memory_space<vmem>>, vector<16xf32>,
        tpu.vector_store %arg12[%swap3A_608, %swap3A_609], %mul3A_607 {strides = array<i32>} : memref<512x64xf32, #tpu.memory_space<vmem>>, vector<16xf32>,
      }
      %scan3A_114 = arith.constant 16 : i32
    }
    %scan3A_44 = arith.constant 16 : i32
    %dma_wait3A = arith.constant 0 : i32
    %dma_wait3A_45 = arith.constant 0 : i32
    %dma_wait3A_46 = tpu.memref_slice %arg4[%dma_wait3A, %dma_wait3A_45] : memref<2000000x64xf32, #tpu.memory_space<hbm>> -> memref<320x64xf32, #tpu.memory_space<hbm>>
    %dma_wait3A_47 = arith.constant 0 : i32
    %dma_wait3A_48 = arith.constant 0 : i32
    %dma_wait3A_49 = tpu.memref_slice %arg4[%dma_wait3A_47, %dma_wait3A_48] : memref<2000000x64xf32, #tpu.memory_space<hbm>> -> memref<320x64xf32, #tpu.memory_space<hbm>>
    tpu.wait_dma2 semaphore(%arg14 : memref<!tpu.dma_semaphore, #tpu.memory_space<semaphore_mem>>) src(%dma_wait3A_49 : memref<320x64xf32, #tpu.memory_space<hbm>>) dst(%arg10 : memref<320x64xf32, #tpu.memory_space<vmem>>)
    %dma_start3A_50 = arith.constant 0 : i32
    %dma_start3A_51 = tpu.memref_slice %arg9[%dma_start3A_50] : memref<2560xi32, #tpu.memory_space<vmem>> -> memref<320xi32, #tpu.memory_space<vmem>>
    %dma_start3A_52 = arith.constant 0 : i32
    %dma_start3A_53 = arith.constant 0 : i32
    %dma_start3A_54 = tpu.memref_slice %arg4[%dma_start3A_52, %dma_start3A_53] : memref<2000000x64xf32, #tpu.memory_space<hbm>> -> memref<2000000x64xf32, #tpu.memory_space<hbm>>
    tpu.enqueue_indirect_dma source(%dma_start3A_54 : memref<2000000x64xf32, #tpu.memory_space<hbm>>) target(%arg10 : memref<320x64xf32, #tpu.memory_space<vmem>>) offsets(%dma_start3A_51 : memref<320xi32, #tpu.memory_space<vmem>>) semaphore(%arg14 : memref<!tpu.dma_semaphore, #tpu.memory_space<semaphore_mem>>)
    %scan3A_55 = arith.constant 0 : i32
    %scan3A_56 = arith.constant 0 : i32
    %scan3A_57 = arith.constant 4 : i32
    %scan3A_58 = arith.addi %scan3A_56, %scan3A_57 : i32
    %scan3A_59 = arith.constant 1 : i32
    scf.for %scan3A_67 = %scan3A_56 to %scan3A_58 step %scan3A_59  : i32 {
      %mul3A_68 = arith.constant 2 : i32
      %mul3A_69 = arith.muli %mul3A_68, %scan3A_67 : i32
      %add3A_70 = arith.constant 1 : i32
      %add3A_71 = arith.addi %mul3A_69, %add3A_70 : i32
      %min3A = arith.constant 7 : i32
      %min3A_72 = arith.minsi %add3A_71, %min3A : i32
      %mul3A_73 = arith.constant 320 : i32
      %mul3A_74 = arith.muli %min3A_72, %mul3A_73 : i32
      %dma_start3A_75 = tpu.memref_slice %arg9[%mul3A_74] : memref<2560xi32, #tpu.memory_space<vmem>> -> memref<320xi32, #tpu.memory_space<vmem>>
      %dma_start3A_76 = arith.constant 0 : i32
      %dma_start3A_77 = arith.constant 0 : i32
      %dma_start3A_78 = tpu.memref_slice %arg4[%dma_start3A_76, %dma_start3A_77] : memref<2000000x64xf32, #tpu.memory_space<hbm>> -> memref<2000000x64xf32, #tpu.memory_space<hbm>>
      tpu.enqueue_indirect_dma source(%dma_start3A_78 : memref<2000000x64xf32, #tpu.memory_space<hbm>>) target(%arg11 : memref<320x64xf32, #tpu.memory_space<vmem>>) offsets(%dma_start3A_75 : memref<320xi32, #tpu.memory_space<vmem>>) semaphore(%arg15 : memref<!tpu.dma_semaphore, #tpu.memory_space<semaphore_mem>>)
      %dma_wait3A_79 = arith.constant 0 : i32
      %dma_wait3A_80 = arith.constant 0 : i32
      %dma_wait3A_81 = tpu.memref_slice %arg4[%dma_wait3A_79, %dma_wait3A_80] : memref<2000000x64xf32, #tpu.memory_space<hbm>> -> memref<320x64xf32, #tpu.memory_space<hbm>>
      %dma_wait3A_82 = arith.constant 0 : i32
      %dma_wait3A_83 = arith.constant 0 : i32
      %dma_wait3A_84 = tpu.memref_slice %arg4[%dma_wait3A_82, %dma_wait3A_83] : memref<2000000x64xf32, #tpu.memory_space<hbm>> -> memref<320x64xf32, #tpu.memory_space<hbm>>
      tpu.wait_dma2 semaphore(%arg14 : memref<!tpu.dma_semaphore, #tpu.memory_space<semaphore_mem>>) src(%dma_wait3A_84 : memref<320x64xf32, #tpu.memory_space<hbm>>) dst(%arg10 : memref<320x64xf32, #tpu.memory_space<vmem>>)
      %scan3A_85 = arith.constant 0 : i32
      %scan3A_86 = arith.constant 0 : i32
      %scan3A_87 = arith.constant 64 : i32
      %scan3A_88 = arith.addi %scan3A_86, %scan3A_87 : i32
      %scan3A_89 = arith.constant 1 : i32
      scf.for %scan3A_121 = %scan3A_86 to %scan3A_88 step %scan3A_89  : i32 {
        %mul3A_122 = arith.constant 64 : i32
        %mul3A_123 = arith.muli %mul3A_69, %mul3A_122 : i32
        %add3A_124 = arith.addi %mul3A_123, %scan3A_121 : i32
        %get3A = arith.index_cast %add3A_124 : i32 to index
        %get3A_125 = arith.constant 0 : index
        %get3A_126 = tpu.vector_load %arg12[%get3A, %get3A_125] {strides = array<i32>} : memref<512x64xf32, #tpu.memory_space<vmem>>, vector<16xf32>,
        %get3A_127 = arith.index_cast %add3A_124 : i32 to index
        %get3A_128 = arith.constant 16 : index
        %get3A_129 = tpu.vector_load %arg12[%get3A_127, %get3A_128] {strides = array<i32>} : memref<512x64xf32, #tpu.memory_space<vmem>>, vector<16xf32>,
        %get3A_130 = arith.index_cast %add3A_124 : i32 to index
        %get3A_131 = arith.constant 32 : index
        %get3A_132 = tpu.vector_load %arg12[%get3A_130, %get3A_131] {strides = array<i32>} : memref<512x64xf32, #tpu.memory_space<vmem>>, vector<16xf32>,
        %get3A_133 = arith.index_cast %add3A_124 : i32 to index
        %get3A_134 = arith.constant 48 : index
        %get3A_135 = tpu.vector_load %arg12[%get3A_133, %get3A_134] {strides = array<i32>} : memref<512x64xf32, #tpu.memory_space<vmem>>, vector<16xf32>,
        %broadcast_in_dim3A = arith.constant 0.000000e+00 : f32
        %broadcast_in_dim3A_136 = vector.broadcast %broadcast_in_dim3A : f32 to vector<16xf32>
        %mul3A_137 = arith.constant 5 : i32
        %mul3A_138 = arith.muli %scan3A_121, %mul3A_137 : i32
        %add3A_139 = arith.constant 0 : i32
        %add3A_140 = arith.addi %mul3A_138, %add3A_139 : i32
        %get3A_141 = arith.index_cast %add3A_140 : i32 to index
        %get3A_142 = arith.constant 0 : index
        %get3A_143 = tpu.vector_load %arg10[%get3A_141, %get3A_142] {strides = array<i32>} : memref<320x64xf32, #tpu.memory_space<vmem>>, vector<16xf32>,
        %mul3A_144 = arith.mulf %get3A_143, %get3A_126 : vector<16xf32>
        %get3A_145 = arith.index_cast %add3A_140 : i32 to index
        %get3A_146 = arith.constant 16 : index
        %get3A_147 = tpu.vector_load %arg10[%get3A_145, %get3A_146] {strides = array<i32>} : memref<320x64xf32, #tpu.memory_space<vmem>>, vector<16xf32>,
        %mul3A_148 = arith.mulf %get3A_147, %get3A_129 : vector<16xf32>
        %add3A_149 = arith.addf %mul3A_144, %mul3A_148 : vector<16xf32>
        %get3A_150 = arith.index_cast %add3A_140 : i32 to index
        %get3A_151 = arith.constant 32 : index
        %get3A_152 = tpu.vector_load %arg10[%get3A_150, %get3A_151] {strides = array<i32>} : memref<320x64xf32, #tpu.memory_space<vmem>>, vector<16xf32>,
        %mul3A_153 = arith.mulf %get3A_152, %get3A_132 : vector<16xf32>
        %add3A_154 = arith.addf %add3A_149, %mul3A_153 : vector<16xf32>
        %get3A_155 = arith.index_cast %add3A_140 : i32 to index
        %get3A_156 = arith.constant 48 : index
        %get3A_157 = tpu.vector_load %arg10[%get3A_155, %get3A_156] {strides = array<i32>} : memref<320x64xf32, #tpu.memory_space<vmem>>, vector<16xf32>,
        %mul3A_158 = arith.mulf %get3A_157, %get3A_135 : vector<16xf32>
        %add3A_159 = arith.addf %add3A_154, %mul3A_158 : vector<16xf32>
        %broadcast_in_dim3A_160 = vector.shape_cast %xor3A_4 : vector<16xi32> to vector<16x1xi32>
        %gather3A = vector.shape_cast %broadcast_in_dim3A_160 : vector<16x1xi32> to vector<16xi32>
        %gather3A_161 = tpu.dynamic_gather %add3A_159[%gather3A] in [0] : vector<16xf32>, vector<16xi32> -> vector<16xf32>
        %add3A_162 = arith.addf %add3A_159, %gather3A_161 : vector<16xf32>
        %broadcast_in_dim3A_163 = vector.shape_cast %xor3A_7 : vector<16xi32> to vector<16x1xi32>
        %gather3A_164 = vector.shape_cast %broadcast_in_dim3A_163 : vector<16x1xi32> to vector<16xi32>
        %gather3A_165 = tpu.dynamic_gather %add3A_162[%gather3A_164] in [0] : vector<16xf32>, vector<16xi32> -> vector<16xf32>
        %add3A_166 = arith.addf %add3A_162, %gather3A_165 : vector<16xf32>
        %broadcast_in_dim3A_167 = vector.shape_cast %xor3A_10 : vector<16xi32> to vector<16x1xi32>
        %gather3A_168 = vector.shape_cast %broadcast_in_dim3A_167 : vector<16x1xi32> to vector<16xi32>
        %gather3A_169 = tpu.dynamic_gather %add3A_166[%gather3A_168] in [0] : vector<16xf32>, vector<16xi32> -> vector<16xf32>
        %add3A_170 = arith.addf %add3A_166, %gather3A_169 : vector<16xf32>
        %broadcast_in_dim3A_171 = vector.shape_cast %xor3A_13 : vector<16xi32> to vector<16x1xi32>
        %gather3A_172 = vector.shape_cast %broadcast_in_dim3A_171 : vector<16x1xi32> to vector<16xi32>
        %gather3A_173 = tpu.dynamic_gather %add3A_170[%gather3A_172] in [0] : vector<16xf32>, vector<16xi32> -> vector<16xf32>
        %add3A_174 = arith.addf %add3A_170, %gather3A_173 : vector<16xf32>
        %select_n3A = arith.select %eq3A_15, %add3A_174, %broadcast_in_dim3A_136 : vector<16xi1>, vector<16xf32>
        %mul3A_175 = arith.constant 5 : i32
        %mul3A_176 = arith.muli %scan3A_121, %mul3A_175 : i32
        %add3A_177 = arith.constant 1 : i32
        %add3A_178 = arith.addi %mul3A_176, %add3A_177 : i32
        %get3A_179 = arith.index_cast %add3A_178 : i32 to index
        %get3A_180 = arith.constant 0 : index
        %get3A_181 = tpu.vector_load %arg10[%get3A_179, %get3A_180] {strides = array<i32>} : memref<320x64xf32, #tpu.memory_space<vmem>>, vector<16xf32>,
        %mul3A_182 = arith.mulf %get3A_181, %get3A_126 : vector<16xf32>
        %get3A_183 = arith.index_cast %add3A_178 : i32 to index
        %get3A_184 = arith.constant 16 : index
        %get3A_185 = tpu.vector_load %arg10[%get3A_183, %get3A_184] {strides = array<i32>} : memref<320x64xf32, #tpu.memory_space<vmem>>, vector<16xf32>,
        %mul3A_186 = arith.mulf %get3A_185, %get3A_129 : vector<16xf32>
        %add3A_187 = arith.addf %mul3A_182, %mul3A_186 : vector<16xf32>
        %get3A_188 = arith.index_cast %add3A_178 : i32 to index
        %get3A_189 = arith.constant 32 : index
        %get3A_190 = tpu.vector_load %arg10[%get3A_188, %get3A_189] {strides = array<i32>} : memref<320x64xf32, #tpu.memory_space<vmem>>, vector<16xf32>,
        %mul3A_191 = arith.mulf %get3A_190, %get3A_132 : vector<16xf32>
        %add3A_192 = arith.addf %add3A_187, %mul3A_191 : vector<16xf32>
        %get3A_193 = arith.index_cast %add3A_178 : i32 to index
        %get3A_194 = arith.constant 48 : index
        %get3A_195 = tpu.vector_load %arg10[%get3A_193, %get3A_194] {strides = array<i32>} : memref<320x64xf32, #tpu.memory_space<vmem>>, vector<16xf32>,
        %mul3A_196 = arith.mulf %get3A_195, %get3A_135 : vector<16xf32>
        %add3A_197 = arith.addf %add3A_192, %mul3A_196 : vector<16xf32>
        %broadcast_in_dim3A_198 = vector.shape_cast %xor3A_4 : vector<16xi32> to vector<16x1xi32>
        %gather3A_199 = vector.shape_cast %broadcast_in_dim3A_198 : vector<16x1xi32> to vector<16xi32>
        %gather3A_200 = tpu.dynamic_gather %add3A_197[%gather3A_199] in [0] : vector<16xf32>, vector<16xi32> -> vector<16xf32>
        %add3A_201 = arith.addf %add3A_197, %gather3A_200 : vector<16xf32>
        %broadcast_in_dim3A_202 = vector.shape_cast %xor3A_7 : vector<16xi32> to vector<16x1xi32>
        %gather3A_203 = vector.shape_cast %broadcast_in_dim3A_202 : vector<16x1xi32> to vector<16xi32>
        %gather3A_204 = tpu.dynamic_gather %add3A_201[%gather3A_203] in [0] : vector<16xf32>, vector<16xi32> -> vector<16xf32>
        %add3A_205 = arith.addf %add3A_201, %gather3A_204 : vector<16xf32>
        %broadcast_in_dim3A_206 = vector.shape_cast %xor3A_10 : vector<16xi32> to vector<16x1xi32>
        %gather3A_207 = vector.shape_cast %broadcast_in_dim3A_206 : vector<16x1xi32> to vector<16xi32>
        %gather3A_208 = tpu.dynamic_gather %add3A_205[%gather3A_207] in [0] : vector<16xf32>, vector<16xi32> -> vector<16xf32>
        %add3A_209 = arith.addf %add3A_205, %gather3A_208 : vector<16xf32>
        %broadcast_in_dim3A_210 = vector.shape_cast %xor3A_13 : vector<16xi32> to vector<16x1xi32>
        %gather3A_211 = vector.shape_cast %broadcast_in_dim3A_210 : vector<16x1xi32> to vector<16xi32>
        %gather3A_212 = tpu.dynamic_gather %add3A_209[%gather3A_211] in [0] : vector<16xf32>, vector<16xi32> -> vector<16xf32>
        %add3A_213 = arith.addf %add3A_209, %gather3A_212 : vector<16xf32>
        %select_n3A_214 = arith.select %eq3A_18, %add3A_213, %select_n3A : vector<16xi1>, vector<16xf32>
        %mul3A_215 = arith.constant 5 : i32
        %mul3A_216 = arith.muli %scan3A_121, %mul3A_215 : i32
        %add3A_217 = arith.constant 2 : i32
        %add3A_218 = arith.addi %mul3A_216, %add3A_217 : i32
        %get3A_219 = arith.index_cast %add3A_218 : i32 to index
        %get3A_220 = arith.constant 0 : index
        %get3A_221 = tpu.vector_load %arg10[%get3A_219, %get3A_220] {strides = array<i32>} : memref<320x64xf32, #tpu.memory_space<vmem>>, vector<16xf32>,
        %mul3A_222 = arith.mulf %get3A_221, %get3A_126 : vector<16xf32>
        %get3A_223 = arith.index_cast %add3A_218 : i32 to index
        %get3A_224 = arith.constant 16 : index
        %get3A_225 = tpu.vector_load %arg10[%get3A_223, %get3A_224] {strides = array<i32>} : memref<320x64xf32, #tpu.memory_space<vmem>>, vector<16xf32>,
        %mul3A_226 = arith.mulf %get3A_225, %get3A_129 : vector<16xf32>
        %add3A_227 = arith.addf %mul3A_222, %mul3A_226 : vector<16xf32>
        %get3A_228 = arith.index_cast %add3A_218 : i32 to index
        %get3A_229 = arith.constant 32 : index
        %get3A_230 = tpu.vector_load %arg10[%get3A_228, %get3A_229] {strides = array<i32>} : memref<320x64xf32, #tpu.memory_space<vmem>>, vector<16xf32>,
        %mul3A_231 = arith.mulf %get3A_230, %get3A_132 : vector<16xf32>
        %add3A_232 = arith.addf %add3A_227, %mul3A_231 : vector<16xf32>
        %get3A_233 = arith.index_cast %add3A_218 : i32 to index
        %get3A_234 = arith.constant 48 : index
        %get3A_235 = tpu.vector_load %arg10[%get3A_233, %get3A_234] {strides = array<i32>} : memref<320x64xf32, #tpu.memory_space<vmem>>, vector<16xf32>,
        %mul3A_236 = arith.mulf %get3A_235, %get3A_135 : vector<16xf32>
        %add3A_237 = arith.addf %add3A_232, %mul3A_236 : vector<16xf32>
        %broadcast_in_dim3A_238 = vector.shape_cast %xor3A_4 : vector<16xi32> to vector<16x1xi32>
        %gather3A_239 = vector.shape_cast %broadcast_in_dim3A_238 : vector<16x1xi32> to vector<16xi32>
        %gather3A_240 = tpu.dynamic_gather %add3A_237[%gather3A_239] in [0] : vector<16xf32>, vector<16xi32> -> vector<16xf32>
        %add3A_241 = arith.addf %add3A_237, %gather3A_240 : vector<16xf32>
        %broadcast_in_dim3A_242 = vector.shape_cast %xor3A_7 : vector<16xi32> to vector<16x1xi32>
        %gather3A_243 = vector.shape_cast %broadcast_in_dim3A_242 : vector<16x1xi32> to vector<16xi32>
        %gather3A_244 = tpu.dynamic_gather %add3A_241[%gather3A_243] in [0] : vector<16xf32>, vector<16xi32> -> vector<16xf32>
        %add3A_245 = arith.addf %add3A_241, %gather3A_244 : vector<16xf32>
        %broadcast_in_dim3A_246 = vector.shape_cast %xor3A_10 : vector<16xi32> to vector<16x1xi32>
        %gather3A_247 = vector.shape_cast %broadcast_in_dim3A_246 : vector<16x1xi32> to vector<16xi32>
        %gather3A_248 = tpu.dynamic_gather %add3A_245[%gather3A_247] in [0] : vector<16xf32>, vector<16xi32> -> vector<16xf32>
        %add3A_249 = arith.addf %add3A_245, %gather3A_248 : vector<16xf32>
        %broadcast_in_dim3A_250 = vector.shape_cast %xor3A_13 : vector<16xi32> to vector<16x1xi32>
        %gather3A_251 = vector.shape_cast %broadcast_in_dim3A_250 : vector<16x1xi32> to vector<16xi32>
        %gather3A_252 = tpu.dynamic_gather %add3A_249[%gather3A_251] in [0] : vector<16xf32>, vector<16xi32> -> vector<16xf32>
        %add3A_253 = arith.addf %add3A_249, %gather3A_252 : vector<16xf32>
        %select_n3A_254 = arith.select %eq3A_21, %add3A_253, %select_n3A_214 : vector<16xi1>, vector<16xf32>
        %mul3A_255 = arith.constant 5 : i32
        %mul3A_256 = arith.muli %scan3A_121, %mul3A_255 : i32
        %add3A_257 = arith.constant 3 : i32
        %add3A_258 = arith.addi %mul3A_256, %add3A_257 : i32
        %get3A_259 = arith.index_cast %add3A_258 : i32 to index
        %get3A_260 = arith.constant 0 : index
        %get3A_261 = tpu.vector_load %arg10[%get3A_259, %get3A_260] {strides = array<i32>} : memref<320x64xf32, #tpu.memory_space<vmem>>, vector<16xf32>,
        %mul3A_262 = arith.mulf %get3A_261, %get3A_126 : vector<16xf32>
        %get3A_263 = arith.index_cast %add3A_258 : i32 to index
        %get3A_264 = arith.constant 16 : index
        %get3A_265 = tpu.vector_load %arg10[%get3A_263, %get3A_264] {strides = array<i32>} : memref<320x64xf32, #tpu.memory_space<vmem>>, vector<16xf32>,
        %mul3A_266 = arith.mulf %get3A_265, %get3A_129 : vector<16xf32>
        %add3A_267 = arith.addf %mul3A_262, %mul3A_266 : vector<16xf32>
        %get3A_268 = arith.index_cast %add3A_258 : i32 to index
        %get3A_269 = arith.constant 32 : index
        %get3A_270 = tpu.vector_load %arg10[%get3A_268, %get3A_269] {strides = array<i32>} : memref<320x64xf32, #tpu.memory_space<vmem>>, vector<16xf32>,
        %mul3A_271 = arith.mulf %get3A_270, %get3A_132 : vector<16xf32>
        %add3A_272 = arith.addf %add3A_267, %mul3A_271 : vector<16xf32>
        %get3A_273 = arith.index_cast %add3A_258 : i32 to index
        %get3A_274 = arith.constant 48 : index
        %get3A_275 = tpu.vector_load %arg10[%get3A_273, %get3A_274] {strides = array<i32>} : memref<320x64xf32, #tpu.memory_space<vmem>>, vector<16xf32>,
        %mul3A_276 = arith.mulf %get3A_275, %get3A_135 : vector<16xf32>
        %add3A_277 = arith.addf %add3A_272, %mul3A_276 : vector<16xf32>
        %broadcast_in_dim3A_278 = vector.shape_cast %xor3A_4 : vector<16xi32> to vector<16x1xi32>
        %gather3A_279 = vector.shape_cast %broadcast_in_dim3A_278 : vector<16x1xi32> to vector<16xi32>
        %gather3A_280 = tpu.dynamic_gather %add3A_277[%gather3A_279] in [0] : vector<16xf32>, vector<16xi32> -> vector<16xf32>
        %add3A_281 = arith.addf %add3A_277, %gather3A_280 : vector<16xf32>
        %broadcast_in_dim3A_282 = vector.shape_cast %xor3A_7 : vector<16xi32> to vector<16x1xi32>
        %gather3A_283 = vector.shape_cast %broadcast_in_dim3A_282 : vector<16x1xi32> to vector<16xi32>
        %gather3A_284 = tpu.dynamic_gather %add3A_281[%gather3A_283] in [0] : vector<16xf32>, vector<16xi32> -> vector<16xf32>
        %add3A_285 = arith.addf %add3A_281, %gather3A_284 : vector<16xf32>
        %broadcast_in_dim3A_286 = vector.shape_cast %xor3A_10 : vector<16xi32> to vector<16x1xi32>
        %gather3A_287 = vector.shape_cast %broadcast_in_dim3A_286 : vector<16x1xi32> to vector<16xi32>
        %gather3A_288 = tpu.dynamic_gather %add3A_285[%gather3A_287] in [0] : vector<16xf32>, vector<16xi32> -> vector<16xf32>
        %add3A_289 = arith.addf %add3A_285, %gather3A_288 : vector<16xf32>
        %broadcast_in_dim3A_290 = vector.shape_cast %xor3A_13 : vector<16xi32> to vector<16x1xi32>
        %gather3A_291 = vector.shape_cast %broadcast_in_dim3A_290 : vector<16x1xi32> to vector<16xi32>
        %gather3A_292 = tpu.dynamic_gather %add3A_289[%gather3A_291] in [0] : vector<16xf32>, vector<16xi32> -> vector<16xf32>
        %add3A_293 = arith.addf %add3A_289, %gather3A_292 : vector<16xf32>
        %select_n3A_294 = arith.select %eq3A_24, %add3A_293, %select_n3A_254 : vector<16xi1>, vector<16xf32>
        %mul3A_295 = arith.constant 5 : i32
        %mul3A_296 = arith.muli %scan3A_121, %mul3A_295 : i32
        %add3A_297 = arith.constant 4 : i32
        %add3A_298 = arith.addi %mul3A_296, %add3A_297 : i32
        %get3A_299 = arith.index_cast %add3A_298 : i32 to index
        %get3A_300 = arith.constant 0 : index
        %get3A_301 = tpu.vector_load %arg10[%get3A_299, %get3A_300] {strides = array<i32>} : memref<320x64xf32, #tpu.memory_space<vmem>>, vector<16xf32>,
        %mul3A_302 = arith.mulf %get3A_301, %get3A_126 : vector<16xf32>
        %get3A_303 = arith.index_cast %add3A_298 : i32 to index
        %get3A_304 = arith.constant 16 : index
        %get3A_305 = tpu.vector_load %arg10[%get3A_303, %get3A_304] {strides = array<i32>} : memref<320x64xf32, #tpu.memory_space<vmem>>, vector<16xf32>,
        %mul3A_306 = arith.mulf %get3A_305, %get3A_129 : vector<16xf32>
        %add3A_307 = arith.addf %mul3A_302, %mul3A_306 : vector<16xf32>
        %get3A_308 = arith.index_cast %add3A_298 : i32 to index
        %get3A_309 = arith.constant 32 : index
        %get3A_310 = tpu.vector_load %arg10[%get3A_308, %get3A_309] {strides = array<i32>} : memref<320x64xf32, #tpu.memory_space<vmem>>, vector<16xf32>,
        %mul3A_311 = arith.mulf %get3A_310, %get3A_132 : vector<16xf32>
        %add3A_312 = arith.addf %add3A_307, %mul3A_311 : vector<16xf32>
        %get3A_313 = arith.index_cast %add3A_298 : i32 to index
        %get3A_314 = arith.constant 48 : index
        %get3A_315 = tpu.vector_load %arg10[%get3A_313, %get3A_314] {strides = array<i32>} : memref<320x64xf32, #tpu.memory_space<vmem>>, vector<16xf32>,
        %mul3A_316 = arith.mulf %get3A_315, %get3A_135 : vector<16xf32>
        %add3A_317 = arith.addf %add3A_312, %mul3A_316 : vector<16xf32>
        %broadcast_in_dim3A_318 = vector.shape_cast %xor3A_4 : vector<16xi32> to vector<16x1xi32>
        %gather3A_319 = vector.shape_cast %broadcast_in_dim3A_318 : vector<16x1xi32> to vector<16xi32>
        %gather3A_320 = tpu.dynamic_gather %add3A_317[%gather3A_319] in [0] : vector<16xf32>, vector<16xi32> -> vector<16xf32>
        %add3A_321 = arith.addf %add3A_317, %gather3A_320 : vector<16xf32>
        %broadcast_in_dim3A_322 = vector.shape_cast %xor3A_7 : vector<16xi32> to vector<16x1xi32>
        %gather3A_323 = vector.shape_cast %broadcast_in_dim3A_322 : vector<16x1xi32> to vector<16xi32>
        %gather3A_324 = tpu.dynamic_gather %add3A_321[%gather3A_323] in [0] : vector<16xf32>, vector<16xi32> -> vector<16xf32>
        %add3A_325 = arith.addf %add3A_321, %gather3A_324 : vector<16xf32>
        %broadcast_in_dim3A_326 = vector.shape_cast %xor3A_10 : vector<16xi32> to vector<16x1xi32>
        %gather3A_327 = vector.shape_cast %broadcast_in_dim3A_326 : vector<16x1xi32> to vector<16xi32>
        %gather3A_328 = tpu.dynamic_gather %add3A_325[%gather3A_327] in [0] : vector<16xf32>, vector<16xi32> -> vector<16xf32>
        %add3A_329 = arith.addf %add3A_325, %gather3A_328 : vector<16xf32>
        %broadcast_in_dim3A_330 = vector.shape_cast %xor3A_13 : vector<16xi32> to vector<16x1xi32>
        %gather3A_331 = vector.shape_cast %broadcast_in_dim3A_330 : vector<16x1xi32> to vector<16xi32>
        %gather3A_332 = tpu.dynamic_gather %add3A_329[%gather3A_331] in [0] : vector<16xf32>, vector<16xi32> -> vector<16xf32>
        %add3A_333 = arith.addf %add3A_329, %gather3A_332 : vector<16xf32>
        %select_n3A_334 = arith.select %eq3A_27, %add3A_333, %select_n3A_294 : vector<16xi1>, vector<16xf32>
        %broadcast_in_dim3A_335 = vector.broadcast %scan3A_121 : i32 to vector<16xi32>
        tpu.vector_store_idx %arg13[%broadcast_in_dim3A_335, %iota3A], %select_n3A_334 masked %lt3A_29 : memref<64x5xf32, #tpu.memory_space<vmem>>[vector<16xi32>, vector<16xi32>], vector<16xf32>, vector<16xi1>
      }
      %scan3A_90 = arith.constant 64 : i32
      %mul3A_91 = arith.constant 64 : i32
      %mul3A_92 = arith.muli %mul3A_69, %mul3A_91 : i32
      %add3A_93 = arith.addi %mul3A_2, %mul3A_92 : i32
      "tpu.region"() ({
        %run_scoped3A = tpu.sem_alloc : memref<!tpu.dma_semaphore, #tpu.memory_space<semaphore_mem>>
        %dma_start3A_121 = arith.constant 0 : i32
        %dma_start3A_122 = tpu.memref_slice %arg5[%add3A_93, %dma_start3A_121] : memref<16384x5xf32, #tpu.memory_space<hbm>> -> memref<64x5xf32, #tpu.memory_space<hbm>>
        %dma_start3A_123 = arith.constant 0 : i32
        %dma_start3A_124 = tpu.memref_slice %arg5[%add3A_93, %dma_start3A_123] : memref<16384x5xf32, #tpu.memory_space<hbm>> -> memref<64x5xf32, #tpu.memory_space<hbm>>
        tpu.enqueue_dma source(%arg13 : memref<64x5xf32, #tpu.memory_space<vmem>>) target(%dma_start3A_124 : memref<64x5xf32, #tpu.memory_space<hbm>>) target_semaphore(%run_scoped3A : memref<!tpu.dma_semaphore, #tpu.memory_space<semaphore_mem>>)
        %dma_wait3A_125 = arith.constant 0 : i32
        %dma_wait3A_126 = tpu.memref_slice %arg5[%add3A_93, %dma_wait3A_125] : memref<16384x5xf32, #tpu.memory_space<hbm>> -> memref<64x5xf32, #tpu.memory_space<hbm>>
        %dma_wait3A_127 = arith.constant 0 : i32
        %dma_wait3A_128 = tpu.memref_slice %arg5[%add3A_93, %dma_wait3A_127] : memref<16384x5xf32, #tpu.memory_space<hbm>> -> memref<64x5xf32, #tpu.memory_space<hbm>>
        tpu.wait_dma2 semaphore(%run_scoped3A : memref<!tpu.dma_semaphore, #tpu.memory_space<semaphore_mem>>) src(%arg13 : memref<64x5xf32, #tpu.memory_space<vmem>>) dst(%dma_wait3A_128 : memref<64x5xf32, #tpu.memory_space<hbm>>)
        tpu.yield
      }) : () -> ()
      %add3A_94 = arith.constant 2 : i32
      %add3A_95 = arith.addi %mul3A_69, %add3A_94 : i32
      %min3A_96 = arith.constant 7 : i32
      %min3A_97 = arith.minsi %add3A_95, %min3A_96 : i32
      %mul3A_98 = arith.constant 320 : i32
      %mul3A_99 = arith.muli %min3A_97, %mul3A_98 : i32
      %dma_start3A_100 = tpu.memref_slice %arg9[%mul3A_99] : memref<2560xi32, #tpu.memory_space<vmem>> -> memref<320xi32, #tpu.memory_space<vmem>>
      %dma_start3A_101 = arith.constant 0 : i32
      %dma_start3A_102 = arith.constant 0 : i32
      %dma_start3A_103 = tpu.memref_slice %arg4[%dma_start3A_101, %dma_start3A_102] : memref<2000000x64xf32, #tpu.memory_space<hbm>> -> memref<2000000x64xf32, #tpu.memory_space<hbm>>
      tpu.enqueue_indirect_dma source(%dma_start3A_103 : memref<2000000x64xf32, #tpu.memory_space<hbm>>) target(%arg10 : memref<320x64xf32, #tpu.memory_space<vmem>>) offsets(%dma_start3A_100 : memref<320xi32, #tpu.memory_space<vmem>>) semaphore(%arg14 : memref<!tpu.dma_semaphore, #tpu.memory_space<semaphore_mem>>)
      %dma_wait3A_104 = arith.constant 0 : i32
      %dma_wait3A_105 = arith.constant 0 : i32
      %dma_wait3A_106 = tpu.memref_slice %arg4[%dma_wait3A_104, %dma_wait3A_105] : memref<2000000x64xf32, #tpu.memory_space<hbm>> -> memref<320x64xf32, #tpu.memory_space<hbm>>
      %dma_wait3A_107 = arith.constant 0 : i32
      %dma_wait3A_108 = arith.constant 0 : i32
      %dma_wait3A_109 = tpu.memref_slice %arg4[%dma_wait3A_107, %dma_wait3A_108] : memref<2000000x64xf32, #tpu.memory_space<hbm>> -> memref<320x64xf32, #tpu.memory_space<hbm>>
      tpu.wait_dma2 semaphore(%arg15 : memref<!tpu.dma_semaphore, #tpu.memory_space<semaphore_mem>>) src(%dma_wait3A_109 : memref<320x64xf32, #tpu.memory_space<hbm>>) dst(%arg11 : memref<320x64xf32, #tpu.memory_space<vmem>>)
      %add3A_110 = arith.constant 1 : i32
      %add3A_111 = arith.addi %mul3A_69, %add3A_110 : i32
      %scan3A_112 = arith.constant 0 : i32
      %scan3A_113 = arith.constant 0 : i32
      %scan3A_114 = arith.constant 64 : i32
      %scan3A_115 = arith.addi %scan3A_113, %scan3A_114 : i32
      %scan3A_116 = arith.constant 1 : i32
      scf.for %scan3A_121 = %scan3A_113 to %scan3A_115 step %scan3A_116  : i32 {
        %mul3A_122 = arith.constant 64 : i32
        %mul3A_123 = arith.muli %add3A_111, %mul3A_122 : i32
        %add3A_124 = arith.addi %mul3A_123, %scan3A_121 : i32
        %get3A = arith.index_cast %add3A_124 : i32 to index
        %get3A_125 = arith.constant 0 : index
        %get3A_126 = tpu.vector_load %arg12[%get3A, %get3A_125] {strides = array<i32>} : memref<512x64xf32, #tpu.memory_space<vmem>>, vector<16xf32>,
        %get3A_127 = arith.index_cast %add3A_124 : i32 to index
        %get3A_128 = arith.constant 16 : index
        %get3A_129 = tpu.vector_load %arg12[%get3A_127, %get3A_128] {strides = array<i32>} : memref<512x64xf32, #tpu.memory_space<vmem>>, vector<16xf32>,
        %get3A_130 = arith.index_cast %add3A_124 : i32 to index
        %get3A_131 = arith.constant 32 : index
        %get3A_132 = tpu.vector_load %arg12[%get3A_130, %get3A_131] {strides = array<i32>} : memref<512x64xf32, #tpu.memory_space<vmem>>, vector<16xf32>,
        %get3A_133 = arith.index_cast %add3A_124 : i32 to index
        %get3A_134 = arith.constant 48 : index
        %get3A_135 = tpu.vector_load %arg12[%get3A_133, %get3A_134] {strides = array<i32>} : memref<512x64xf32, #tpu.memory_space<vmem>>, vector<16xf32>,
        %broadcast_in_dim3A = arith.constant 0.000000e+00 : f32
        %broadcast_in_dim3A_136 = vector.broadcast %broadcast_in_dim3A : f32 to vector<16xf32>
        %mul3A_137 = arith.constant 5 : i32
        %mul3A_138 = arith.muli %scan3A_121, %mul3A_137 : i32
        %add3A_139 = arith.constant 0 : i32
        %add3A_140 = arith.addi %mul3A_138, %add3A_139 : i32
        %get3A_141 = arith.index_cast %add3A_140 : i32 to index
        %get3A_142 = arith.constant 0 : index
        %get3A_143 = tpu.vector_load %arg11[%get3A_141, %get3A_142] {strides = array<i32>} : memref<320x64xf32, #tpu.memory_space<vmem>>, vector<16xf32>,
        %mul3A_144 = arith.mulf %get3A_143, %get3A_126 : vector<16xf32>
        %get3A_145 = arith.index_cast %add3A_140 : i32 to index
        %get3A_146 = arith.constant 16 : index
        %get3A_147 = tpu.vector_load %arg11[%get3A_145, %get3A_146] {strides = array<i32>} : memref<320x64xf32, #tpu.memory_space<vmem>>, vector<16xf32>,
        %mul3A_148 = arith.mulf %get3A_147, %get3A_129 : vector<16xf32>
        %add3A_149 = arith.addf %mul3A_144, %mul3A_148 : vector<16xf32>
        %get3A_150 = arith.index_cast %add3A_140 : i32 to index
        %get3A_151 = arith.constant 32 : index
        %get3A_152 = tpu.vector_load %arg11[%get3A_150, %get3A_151] {strides = array<i32>} : memref<320x64xf32, #tpu.memory_space<vmem>>, vector<16xf32>,
        %mul3A_153 = arith.mulf %get3A_152, %get3A_132 : vector<16xf32>
        %add3A_154 = arith.addf %add3A_149, %mul3A_153 : vector<16xf32>
        %get3A_155 = arith.index_cast %add3A_140 : i32 to index
        %get3A_156 = arith.constant 48 : index
        %get3A_157 = tpu.vector_load %arg11[%get3A_155, %get3A_156] {strides = array<i32>} : memref<320x64xf32, #tpu.memory_space<vmem>>, vector<16xf32>,
        %mul3A_158 = arith.mulf %get3A_157, %get3A_135 : vector<16xf32>
        %add3A_159 = arith.addf %add3A_154, %mul3A_158 : vector<16xf32>
        %broadcast_in_dim3A_160 = vector.shape_cast %xor3A_4 : vector<16xi32> to vector<16x1xi32>
        %gather3A = vector.shape_cast %broadcast_in_dim3A_160 : vector<16x1xi32> to vector<16xi32>
        %gather3A_161 = tpu.dynamic_gather %add3A_159[%gather3A] in [0] : vector<16xf32>, vector<16xi32> -> vector<16xf32>
        %add3A_162 = arith.addf %add3A_159, %gather3A_161 : vector<16xf32>
        %broadcast_in_dim3A_163 = vector.shape_cast %xor3A_7 : vector<16xi32> to vector<16x1xi32>
        %gather3A_164 = vector.shape_cast %broadcast_in_dim3A_163 : vector<16x1xi32> to vector<16xi32>
        %gather3A_165 = tpu.dynamic_gather %add3A_162[%gather3A_164] in [0] : vector<16xf32>, vector<16xi32> -> vector<16xf32>
        %add3A_166 = arith.addf %add3A_162, %gather3A_165 : vector<16xf32>
        %broadcast_in_dim3A_167 = vector.shape_cast %xor3A_10 : vector<16xi32> to vector<16x1xi32>
        %gather3A_168 = vector.shape_cast %broadcast_in_dim3A_167 : vector<16x1xi32> to vector<16xi32>
        %gather3A_169 = tpu.dynamic_gather %add3A_166[%gather3A_168] in [0] : vector<16xf32>, vector<16xi32> -> vector<16xf32>
        %add3A_170 = arith.addf %add3A_166, %gather3A_169 : vector<16xf32>
        %broadcast_in_dim3A_171 = vector.shape_cast %xor3A_13 : vector<16xi32> to vector<16x1xi32>
        %gather3A_172 = vector.shape_cast %broadcast_in_dim3A_171 : vector<16x1xi32> to vector<16xi32>
        %gather3A_173 = tpu.dynamic_gather %add3A_170[%gather3A_172] in [0] : vector<16xf32>, vector<16xi32> -> vector<16xf32>
        %add3A_174 = arith.addf %add3A_170, %gather3A_173 : vector<16xf32>
        %select_n3A = arith.select %eq3A_15, %add3A_174, %broadcast_in_dim3A_136 : vector<16xi1>, vector<16xf32>
        %mul3A_175 = arith.constant 5 : i32
        %mul3A_176 = arith.muli %scan3A_121, %mul3A_175 : i32
        %add3A_177 = arith.constant 1 : i32
        %add3A_178 = arith.addi %mul3A_176, %add3A_177 : i32
        %get3A_179 = arith.index_cast %add3A_178 : i32 to index
        %get3A_180 = arith.constant 0 : index
        %get3A_181 = tpu.vector_load %arg11[%get3A_179, %get3A_180] {strides = array<i32>} : memref<320x64xf32, #tpu.memory_space<vmem>>, vector<16xf32>,
        %mul3A_182 = arith.mulf %get3A_181, %get3A_126 : vector<16xf32>
        %get3A_183 = arith.index_cast %add3A_178 : i32 to index
        %get3A_184 = arith.constant 16 : index
        %get3A_185 = tpu.vector_load %arg11[%get3A_183, %get3A_184] {strides = array<i32>} : memref<320x64xf32, #tpu.memory_space<vmem>>, vector<16xf32>,
        %mul3A_186 = arith.mulf %get3A_185, %get3A_129 : vector<16xf32>
        %add3A_187 = arith.addf %mul3A_182, %mul3A_186 : vector<16xf32>
        %get3A_188 = arith.index_cast %add3A_178 : i32 to index
        %get3A_189 = arith.constant 32 : index
        %get3A_190 = tpu.vector_load %arg11[%get3A_188, %get3A_189] {strides = array<i32>} : memref<320x64xf32, #tpu.memory_space<vmem>>, vector<16xf32>,
        %mul3A_191 = arith.mulf %get3A_190, %get3A_132 : vector<16xf32>
        %add3A_192 = arith.addf %add3A_187, %mul3A_191 : vector<16xf32>
        %get3A_193 = arith.index_cast %add3A_178 : i32 to index
        %get3A_194 = arith.constant 48 : index
        %get3A_195 = tpu.vector_load %arg11[%get3A_193, %get3A_194] {strides = array<i32>} : memref<320x64xf32, #tpu.memory_space<vmem>>, vector<16xf32>,
        %mul3A_196 = arith.mulf %get3A_195, %get3A_135 : vector<16xf32>
        %add3A_197 = arith.addf %add3A_192, %mul3A_196 : vector<16xf32>
        %broadcast_in_dim3A_198 = vector.shape_cast %xor3A_4 : vector<16xi32> to vector<16x1xi32>
        %gather3A_199 = vector.shape_cast %broadcast_in_dim3A_198 : vector<16x1xi32> to vector<16xi32>
        %gather3A_200 = tpu.dynamic_gather %add3A_197[%gather3A_199] in [0] : vector<16xf32>, vector<16xi32> -> vector<16xf32>
        %add3A_201 = arith.addf %add3A_197, %gather3A_200 : vector<16xf32>
        %broadcast_in_dim3A_202 = vector.shape_cast %xor3A_7 : vector<16xi32> to vector<16x1xi32>
        %gather3A_203 = vector.shape_cast %broadcast_in_dim3A_202 : vector<16x1xi32> to vector<16xi32>
        %gather3A_204 = tpu.dynamic_gather %add3A_201[%gather3A_203] in [0] : vector<16xf32>, vector<16xi32> -> vector<16xf32>
        %add3A_205 = arith.addf %add3A_201, %gather3A_204 : vector<16xf32>
        %broadcast_in_dim3A_206 = vector.shape_cast %xor3A_10 : vector<16xi32> to vector<16x1xi32>
        %gather3A_207 = vector.shape_cast %broadcast_in_dim3A_206 : vector<16x1xi32> to vector<16xi32>
        %gather3A_208 = tpu.dynamic_gather %add3A_205[%gather3A_207] in [0] : vector<16xf32>, vector<16xi32> -> vector<16xf32>
        %add3A_209 = arith.addf %add3A_205, %gather3A_208 : vector<16xf32>
        %broadcast_in_dim3A_210 = vector.shape_cast %xor3A_13 : vector<16xi32> to vector<16x1xi32>
        %gather3A_211 = vector.shape_cast %broadcast_in_dim3A_210 : vector<16x1xi32> to vector<16xi32>
        %gather3A_212 = tpu.dynamic_gather %add3A_209[%gather3A_211] in [0] : vector<16xf32>, vector<16xi32> -> vector<16xf32>
        %add3A_213 = arith.addf %add3A_209, %gather3A_212 : vector<16xf32>
        %select_n3A_214 = arith.select %eq3A_18, %add3A_213, %select_n3A : vector<16xi1>, vector<16xf32>
        %mul3A_215 = arith.constant 5 : i32
        %mul3A_216 = arith.muli %scan3A_121, %mul3A_215 : i32
        %add3A_217 = arith.constant 2 : i32
        %add3A_218 = arith.addi %mul3A_216, %add3A_217 : i32
        %get3A_219 = arith.index_cast %add3A_218 : i32 to index
        %get3A_220 = arith.constant 0 : index
        %get3A_221 = tpu.vector_load %arg11[%get3A_219, %get3A_220] {strides = array<i32>} : memref<320x64xf32, #tpu.memory_space<vmem>>, vector<16xf32>,
        %mul3A_222 = arith.mulf %get3A_221, %get3A_126 : vector<16xf32>
        %get3A_223 = arith.index_cast %add3A_218 : i32 to index
        %get3A_224 = arith.constant 16 : index
        %get3A_225 = tpu.vector_load %arg11[%get3A_223, %get3A_224] {strides = array<i32>} : memref<320x64xf32, #tpu.memory_space<vmem>>, vector<16xf32>,
        %mul3A_226 = arith.mulf %get3A_225, %get3A_129 : vector<16xf32>
        %add3A_227 = arith.addf %mul3A_222, %mul3A_226 : vector<16xf32>
        %get3A_228 = arith.index_cast %add3A_218 : i32 to index
        %get3A_229 = arith.constant 32 : index
        %get3A_230 = tpu.vector_load %arg11[%get3A_228, %get3A_229] {strides = array<i32>} : memref<320x64xf32, #tpu.memory_space<vmem>>, vector<16xf32>,
        %mul3A_231 = arith.mulf %get3A_230, %get3A_132 : vector<16xf32>
        %add3A_232 = arith.addf %add3A_227, %mul3A_231 : vector<16xf32>
        %get3A_233 = arith.index_cast %add3A_218 : i32 to index
        %get3A_234 = arith.constant 48 : index
        %get3A_235 = tpu.vector_load %arg11[%get3A_233, %get3A_234] {strides = array<i32>} : memref<320x64xf32, #tpu.memory_space<vmem>>, vector<16xf32>,
        %mul3A_236 = arith.mulf %get3A_235, %get3A_135 : vector<16xf32>
        %add3A_237 = arith.addf %add3A_232, %mul3A_236 : vector<16xf32>
        %broadcast_in_dim3A_238 = vector.shape_cast %xor3A_4 : vector<16xi32> to vector<16x1xi32>
        %gather3A_239 = vector.shape_cast %broadcast_in_dim3A_238 : vector<16x1xi32> to vector<16xi32>
        %gather3A_240 = tpu.dynamic_gather %add3A_237[%gather3A_239] in [0] : vector<16xf32>, vector<16xi32> -> vector<16xf32>
        %add3A_241 = arith.addf %add3A_237, %gather3A_240 : vector<16xf32>
        %broadcast_in_dim3A_242 = vector.shape_cast %xor3A_7 : vector<16xi32> to vector<16x1xi32>
        %gather3A_243 = vector.shape_cast %broadcast_in_dim3A_242 : vector<16x1xi32> to vector<16xi32>
        %gather3A_244 = tpu.dynamic_gather %add3A_241[%gather3A_243] in [0] : vector<16xf32>, vector<16xi32> -> vector<16xf32>
        %add3A_245 = arith.addf %add3A_241, %gather3A_244 : vector<16xf32>
        %broadcast_in_dim3A_246 = vector.shape_cast %xor3A_10 : vector<16xi32> to vector<16x1xi32>
        %gather3A_247 = vector.shape_cast %broadcast_in_dim3A_246 : vector<16x1xi32> to vector<16xi32>
        %gather3A_248 = tpu.dynamic_gather %add3A_245[%gather3A_247] in [0] : vector<16xf32>, vector<16xi32> -> vector<16xf32>
        %add3A_249 = arith.addf %add3A_245, %gather3A_248 : vector<16xf32>
        %broadcast_in_dim3A_250 = vector.shape_cast %xor3A_13 : vector<16xi32> to vector<16x1xi32>
        %gather3A_251 = vector.shape_cast %broadcast_in_dim3A_250 : vector<16x1xi32> to vector<16xi32>
        %gather3A_252 = tpu.dynamic_gather %add3A_249[%gather3A_251] in [0] : vector<16xf32>, vector<16xi32> -> vector<16xf32>
        %add3A_253 = arith.addf %add3A_249, %gather3A_252 : vector<16xf32>
        %select_n3A_254 = arith.select %eq3A_21, %add3A_253, %select_n3A_214 : vector<16xi1>, vector<16xf32>
        %mul3A_255 = arith.constant 5 : i32
        %mul3A_256 = arith.muli %scan3A_121, %mul3A_255 : i32
        %add3A_257 = arith.constant 3 : i32
        %add3A_258 = arith.addi %mul3A_256, %add3A_257 : i32
        %get3A_259 = arith.index_cast %add3A_258 : i32 to index
        %get3A_260 = arith.constant 0 : index
        %get3A_261 = tpu.vector_load %arg11[%get3A_259, %get3A_260] {strides = array<i32>} : memref<320x64xf32, #tpu.memory_space<vmem>>, vector<16xf32>,
        %mul3A_262 = arith.mulf %get3A_261, %get3A_126 : vector<16xf32>
        %get3A_263 = arith.index_cast %add3A_258 : i32 to index
        %get3A_264 = arith.constant 16 : index
        %get3A_265 = tpu.vector_load %arg11[%get3A_263, %get3A_264] {strides = array<i32>} : memref<320x64xf32, #tpu.memory_space<vmem>>, vector<16xf32>,
        %mul3A_266 = arith.mulf %get3A_265, %get3A_129 : vector<16xf32>
        %add3A_267 = arith.addf %mul3A_262, %mul3A_266 : vector<16xf32>
        %get3A_268 = arith.index_cast %add3A_258 : i32 to index
        %get3A_269 = arith.constant 32 : index
        %get3A_270 = tpu.vector_load %arg11[%get3A_268, %get3A_269] {strides = array<i32>} : memref<320x64xf32, #tpu.memory_space<vmem>>, vector<16xf32>,
        %mul3A_271 = arith.mulf %get3A_270, %get3A_132 : vector<16xf32>
        %add3A_272 = arith.addf %add3A_267, %mul3A_271 : vector<16xf32>
        %get3A_273 = arith.index_cast %add3A_258 : i32 to index
        %get3A_274 = arith.constant 48 : index
        %get3A_275 = tpu.vector_load %arg11[%get3A_273, %get3A_274] {strides = array<i32>} : memref<320x64xf32, #tpu.memory_space<vmem>>, vector<16xf32>,
        %mul3A_276 = arith.mulf %get3A_275, %get3A_135 : vector<16xf32>
        %add3A_277 = arith.addf %add3A_272, %mul3A_276 : vector<16xf32>
        %broadcast_in_dim3A_278 = vector.shape_cast %xor3A_4 : vector<16xi32> to vector<16x1xi32>
        %gather3A_279 = vector.shape_cast %broadcast_in_dim3A_278 : vector<16x1xi32> to vector<16xi32>
        %gather3A_280 = tpu.dynamic_gather %add3A_277[%gather3A_279] in [0] : vector<16xf32>, vector<16xi32> -> vector<16xf32>
        %add3A_281 = arith.addf %add3A_277, %gather3A_280 : vector<16xf32>
        %broadcast_in_dim3A_282 = vector.shape_cast %xor3A_7 : vector<16xi32> to vector<16x1xi32>
        %gather3A_283 = vector.shape_cast %broadcast_in_dim3A_282 : vector<16x1xi32> to vector<16xi32>
        %gather3A_284 = tpu.dynamic_gather %add3A_281[%gather3A_283] in [0] : vector<16xf32>, vector<16xi32> -> vector<16xf32>
        %add3A_285 = arith.addf %add3A_281, %gather3A_284 : vector<16xf32>
        %broadcast_in_dim3A_286 = vector.shape_cast %xor3A_10 : vector<16xi32> to vector<16x1xi32>
        %gather3A_287 = vector.shape_cast %broadcast_in_dim3A_286 : vector<16x1xi32> to vector<16xi32>
        %gather3A_288 = tpu.dynamic_gather %add3A_285[%gather3A_287] in [0] : vector<16xf32>, vector<16xi32> -> vector<16xf32>
        %add3A_289 = arith.addf %add3A_285, %gather3A_288 : vector<16xf32>
        %broadcast_in_dim3A_290 = vector.shape_cast %xor3A_13 : vector<16xi32> to vector<16x1xi32>
        %gather3A_291 = vector.shape_cast %broadcast_in_dim3A_290 : vector<16x1xi32> to vector<16xi32>
        %gather3A_292 = tpu.dynamic_gather %add3A_289[%gather3A_291] in [0] : vector<16xf32>, vector<16xi32> -> vector<16xf32>
        %add3A_293 = arith.addf %add3A_289, %gather3A_292 : vector<16xf32>
        %select_n3A_294 = arith.select %eq3A_24, %add3A_293, %select_n3A_254 : vector<16xi1>, vector<16xf32>
        %mul3A_295 = arith.constant 5 : i32
        %mul3A_296 = arith.muli %scan3A_121, %mul3A_295 : i32
        %add3A_297 = arith.constant 4 : i32
        %add3A_298 = arith.addi %mul3A_296, %add3A_297 : i32
        %get3A_299 = arith.index_cast %add3A_298 : i32 to index
        %get3A_300 = arith.constant 0 : index
        %get3A_301 = tpu.vector_load %arg11[%get3A_299, %get3A_300] {strides = array<i32>} : memref<320x64xf32, #tpu.memory_space<vmem>>, vector<16xf32>,
        %mul3A_302 = arith.mulf %get3A_301, %get3A_126 : vector<16xf32>
        %get3A_303 = arith.index_cast %add3A_298 : i32 to index
        %get3A_304 = arith.constant 16 : index
        %get3A_305 = tpu.vector_load %arg11[%get3A_303, %get3A_304] {strides = array<i32>} : memref<320x64xf32, #tpu.memory_space<vmem>>, vector<16xf32>,
        %mul3A_306 = arith.mulf %get3A_305, %get3A_129 : vector<16xf32>
        %add3A_307 = arith.addf %mul3A_302, %mul3A_306 : vector<16xf32>
        %get3A_308 = arith.index_cast %add3A_298 : i32 to index
        %get3A_309 = arith.constant 32 : index
        %get3A_310 = tpu.vector_load %arg11[%get3A_308, %get3A_309] {strides = array<i32>} : memref<320x64xf32, #tpu.memory_space<vmem>>, vector<16xf32>,
        %mul3A_311 = arith.mulf %get3A_310, %get3A_132 : vector<16xf32>
        %add3A_312 = arith.addf %add3A_307, %mul3A_311 : vector<16xf32>
        %get3A_313 = arith.index_cast %add3A_298 : i32 to index
        %get3A_314 = arith.constant 48 : index
        %get3A_315 = tpu.vector_load %arg11[%get3A_313, %get3A_314] {strides = array<i32>} : memref<320x64xf32, #tpu.memory_space<vmem>>, vector<16xf32>,
        %mul3A_316 = arith.mulf %get3A_315, %get3A_135 : vector<16xf32>
        %add3A_317 = arith.addf %add3A_312, %mul3A_316 : vector<16xf32>
        %broadcast_in_dim3A_318 = vector.shape_cast %xor3A_4 : vector<16xi32> to vector<16x1xi32>
        %gather3A_319 = vector.shape_cast %broadcast_in_dim3A_318 : vector<16x1xi32> to vector<16xi32>
        %gather3A_320 = tpu.dynamic_gather %add3A_317[%gather3A_319] in [0] : vector<16xf32>, vector<16xi32> -> vector<16xf32>
        %add3A_321 = arith.addf %add3A_317, %gather3A_320 : vector<16xf32>
        %broadcast_in_dim3A_322 = vector.shape_cast %xor3A_7 : vector<16xi32> to vector<16x1xi32>
        %gather3A_323 = vector.shape_cast %broadcast_in_dim3A_322 : vector<16x1xi32> to vector<16xi32>
        %gather3A_324 = tpu.dynamic_gather %add3A_321[%gather3A_323] in [0] : vector<16xf32>, vector<16xi32> -> vector<16xf32>
        %add3A_325 = arith.addf %add3A_321, %gather3A_324 : vector<16xf32>
        %broadcast_in_dim3A_326 = vector.shape_cast %xor3A_10 : vector<16xi32> to vector<16x1xi32>
        %gather3A_327 = vector.shape_cast %broadcast_in_dim3A_326 : vector<16x1xi32> to vector<16xi32>
        %gather3A_328 = tpu.dynamic_gather %add3A_325[%gather3A_327] in [0] : vector<16xf32>, vector<16xi32> -> vector<16xf32>
        %add3A_329 = arith.addf %add3A_325, %gather3A_328 : vector<16xf32>
        %broadcast_in_dim3A_330 = vector.shape_cast %xor3A_13 : vector<16xi32> to vector<16x1xi32>
        %gather3A_331 = vector.shape_cast %broadcast_in_dim3A_330 : vector<16x1xi32> to vector<16xi32>
        %gather3A_332 = tpu.dynamic_gather %add3A_329[%gather3A_331] in [0] : vector<16xf32>, vector<16xi32> -> vector<16xf32>
        %add3A_333 = arith.addf %add3A_329, %gather3A_332 : vector<16xf32>
        %select_n3A_334 = arith.select %eq3A_27, %add3A_333, %select_n3A_294 : vector<16xi1>, vector<16xf32>
        %broadcast_in_dim3A_335 = vector.broadcast %scan3A_121 : i32 to vector<16xi32>
        tpu.vector_store_idx %arg13[%broadcast_in_dim3A_335, %iota3A], %select_n3A_334 masked %lt3A_29 : memref<64x5xf32, #tpu.memory_space<vmem>>[vector<16xi32>, vector<16xi32>], vector<16xf32>, vector<16xi1>
      }
      %scan3A_117 = arith.constant 64 : i32
      %mul3A_118 = arith.constant 64 : i32
      %mul3A_119 = arith.muli %add3A_111, %mul3A_118 : i32
      %add3A_120 = arith.addi %mul3A_2, %mul3A_119 : i32
      "tpu.region"() ({
        %run_scoped3A = tpu.sem_alloc : memref<!tpu.dma_semaphore, #tpu.memory_space<semaphore_mem>>
        %dma_start3A_121 = arith.constant 0 : i32
        %dma_start3A_122 = tpu.memref_slice %arg5[%add3A_120, %dma_start3A_121] : memref<16384x5xf32, #tpu.memory_space<hbm>> -> memref<64x5xf32, #tpu.memory_space<hbm>>
        %dma_start3A_123 = arith.constant 0 : i32
        %dma_start3A_124 = tpu.memref_slice %arg5[%add3A_120, %dma_start3A_123] : memref<16384x5xf32, #tpu.memory_space<hbm>> -> memref<64x5xf32, #tpu.memory_space<hbm>>
        tpu.enqueue_dma source(%arg13 : memref<64x5xf32, #tpu.memory_space<vmem>>) target(%dma_start3A_124 : memref<64x5xf32, #tpu.memory_space<hbm>>) target_semaphore(%run_scoped3A : memref<!tpu.dma_semaphore, #tpu.memory_space<semaphore_mem>>)
        %dma_wait3A_125 = arith.constant 0 : i32
        %dma_wait3A_126 = tpu.memref_slice %arg5[%add3A_120, %dma_wait3A_125] : memref<16384x5xf32, #tpu.memory_space<hbm>> -> memref<64x5xf32, #tpu.memory_space<hbm>>
        %dma_wait3A_127 = arith.constant 0 : i32
        %dma_wait3A_128 = tpu.memref_slice %arg5[%add3A_120, %dma_wait3A_127] : memref<16384x5xf32, #tpu.memory_space<hbm>> -> memref<64x5xf32, #tpu.memory_space<hbm>>
        tpu.wait_dma2 semaphore(%run_scoped3A : memref<!tpu.dma_semaphore, #tpu.memory_space<semaphore_mem>>) src(%arg13 : memref<64x5xf32, #tpu.memory_space<vmem>>) dst(%dma_wait3A_128 : memref<64x5xf32, #tpu.memory_space<hbm>>)
        tpu.yield
      }) : () -> ()
    }
    %scan3A_60 = arith.constant 4 : i32
    %dma_wait3A_61 = arith.constant 0 : i32
    %dma_wait3A_62 = arith.constant 0 : i32
    %dma_wait3A_63 = tpu.memref_slice %arg4[%dma_wait3A_61, %dma_wait3A_62] : memref<2000000x64xf32, #tpu.memory_space<hbm>> -> memref<320x64xf32, #tpu.memory_space<hbm>>
    %dma_wait3A_64 = arith.constant 0 : i32
    %dma_wait3A_65 = arith.constant 0 : i32
    %dma_wait3A_66 = tpu.memref_slice %arg4[%dma_wait3A_64, %dma_wait3A_65] : memref<2000000x64xf32, #tpu.memory_space<hbm>> -> memref<320x64xf32, #tpu.memory_space<hbm>>
    tpu.wait_dma2 semaphore(%arg14 : memref<!tpu.dma_semaphore, #tpu.memory_space<semaphore_mem>>) src(%dma_wait3A_66 : memref<320x64xf32, #tpu.memory_space<hbm>>) dst(%arg10 : memref<320x64xf32, #tpu.memory_space<vmem>>)
    return
  }
}

</mosaic_0001>

<sc_bundles>
// kernel: _cbow_scores.3.cloned.1.call-start
scs
__scs_entry_jumppad:
0x0: {  	(pc) =	sbr.rel $0x88, $3  }
0x1: {  	(tag) =	ssettag $0x0;
	lr =	simm.s32 $0x1  }
0x2: {  	[smem:$0x3F9E] =	sst lr;
	_ =	strace $0xD0000000  }
0x3: {  	_ = 	snop  }
0x4: {  	_ = 	snop  }
0x5: {  	_ = 	snop  }
0x6: {  	_ = 	snop  }
0x7: {  	_ = 	snop  }
__scs_overlays_trampoline_lowered:
0x8: {  	[smem:$0x3FAD] =	sst s0  }
0x9: {  	[smem:$0x3FAE] =	sst s1  }
0xa: {  	[smem:$0x3FAF] =	sst s2  }
0xb: {  	[smem:$0x3FB0] =	sst s3  }
0xc: {  	[smem:$0x3FB1] =	sst s4  }
0xd: {  	[smem:$0x3FB2] =	sst s5  }
0xe: {  	[smem:$0x3FB3] =	sst s6  }
0xf: {  	[smem:$0x3FB4] =	sst s7  }
0x10: {  	[smem:$0x3FB5] =	sst s8  }
0x11: {  	[smem:$0x3FB6] =	sst s9;
	s0 =	simm.s32 @!p0 $0x0  }
0x12: {  	s1 =	sld [smem:$0x3F9C];
	s0 =	simm.s32 @p0 $0x1  }
0x13: {  	[smem:$0x3FB7] =	sst s0;
	s0 =	simm.s32 @!p1 $0x0  }
0x14: {  	s2 =	sld [smem:$0x3F9B];
	s0 =	simm.s32 @p1 $0x1  }
0x15: {  	[smem:$0x3FB8] =	sst s0;
	s0 =	simm.s32 @!p2 $0x0  }
0x16: {  	s3 =	sld [smem:$0x3FDB];
	s0 =	simm.s32 @p2 $0x1  }
0x17: {  	s4 =	simm.s32 $0x1BF5;
	[smem:$0x3FBA] =	sst s0  }
0x18: {  	s0 =	sld [smem:$0x3F9D];
	_ =	swait.ge [sflag:s4], $0x0  }
0x19: {  	s7 =	sld [smem:$0x3F9E]  }
0x1a: {  	s8 =	sadd.s32 $0xFFFFE003, lr  }
0x1b: {  	s9 =	sadd.s32 $0xFFFFFEF7, lr;
	s5 =	simm.s32 $0xFFFFFFFF;
	p2 =	slt.u32 s8, $0xFFFFF086  }
0x1c: {  	p1 =	slt.u32 s9, $0xF7A;
	s5 =	simm.s32 @!p2 $0x0  }
0x1d: {  	s5 =	simm.s32 @p1 $0x1;
	p0 =	seq.s32 s7, s2  }
0x1e: {  	s7 =	smul.u32 @!p0 $0xF7A, s2;
	p2 =	seq.s32 @!p0 s5, $0x0  }
0x1f: {  	s9 =	smul.u32 $0xF7A, s1;
	s8 =	simm.s32 @!p0 $0x1BF5;
	p2 =	por !p2, p0  }
0x20: {  	[sflag:s8] =	ssyncset.s32 @!p0 $0xFFFFF086;
	s6 =	sadd.s32 @!p0 s3, s7;
	s7 =	simm.s32 @!p0 $0x108  }
0x21: {  	s3 =	sadd.s32 s3, s9;
	s6 =	sadd.s32 @!p0 $0x88, s6;
	s7 =	simm.s32 @p2 $0x1082  }
0x22: {  	[simem:s7], [sflag:s8] =	dma.local @!p0 [hbm:s6], $0xF7A  }
0x23: {  	s9 =	sor.u32 $0xD0000000, s2;
	s6 =	simm.s32 $0x108;
	_ =	swait.ge @!p0 [sflag:s8], $0x0  }
0x24: {  	s3 =	sadd.s32 $0x88, s3;
	s6 =	simm.s32 @!p1 $0x1082;
	[sflag:s4] =	ssyncset.s32 $0xFFFFF086  }
0x25: {  	[simem:s6], [sflag:s4] =	dma.local [hbm:s3], $0xF7A  }
0x26: {  	[smem:$0x3F9E] =	sst s1;
	(tag) =	ssettag s2;
	_ =	strace s9  }
0x27: {  	s1 =	sld [smem:$0x3FAE]  }
0x28: {  	s2 =	sld [smem:$0x3FAF]  }
0x29: {  	s4 =	sld [smem:$0x3FB1]  }
0x2a: {  	p0 =	seq.s32 s5, $0x0;
	s5 =	sld [smem:$0x3FB2]  }
0x2b: {  	s6 =	sld [smem:$0x3FB3]  }
0x2c: {  	s7 =	sld [smem:$0x3FB4]  }
0x2d: {  	s3 =	simm.s32 $0x108;
	s8 =	sld [smem:$0x3FB5]  }
0x2e: {  	s3 =	simm.s32 @!p0 $0x1082;
	s9 =	sld [smem:$0x3FB6]  }
0x2f: {  	lr =	sadd.s32 s0, s3;
	s0 =	sld [smem:$0x3FAD]  }
0x30: {  	s3 =	sld [smem:$0x3FB0]  }
0x31: {  	[smem:$0x3FB9] =	sst s10  }
0x32: {  	s10 =	sld [smem:$0x3FB7];
	_ =	sdelay $0x3  }
0x33: {  	p0 =	seq.s32 s10, $0x1;
	s10 =	sld [smem:$0x3FB9];
	_ =	sdelay $0x3  }
0x34: {  	[smem:$0x3FB9] =	sst s10  }
0x35: {  	s10 =	sld [smem:$0x3FB8];
	_ =	sdelay $0x3  }
0x36: {  	p1 =	seq.s32 s10, $0x1;
	s10 =	sld [smem:$0x3FB9];
	_ =	sdelay $0x3  }
0x37: {  	[smem:$0x3FB9] =	sst s10  }
0x38: {  	s10 =	sld [smem:$0x3FBA]  }
0x39: {  	_ = 	snop;
	(pc) =	sbr.ind lr, $3  }
0x3a: {  	_ = 	snop  }
0x3b: {  	_ = 	snop  }
0x3c: {  	p2 =	seq.s32 s10, $0x1;
	s10 =	sld [smem:$0x3FB9]  }
0x3d: {  	_ =	shalt  }
0x3e: {  	_ =	shalt  }
0x3f: {  	_ =	shalt  }
0x40: {  	_ =	shalt  }
0x41: {  	_ =	shalt  }
0x42: {  	_ =	shalt  }
0x43: {  	_ =	shalt  }
0x44: {  	_ =	shalt  }
0x45: {  	_ =	shalt  }
0x46: {  	_ =	shalt  }
0x47: {  	_ =	shalt  }
0x48: {  	_ =	shalt  }
0x49: {  	_ =	shalt  }
0x4a: {  	_ =	shalt  }
0x4b: {  	_ =	shalt  }
0x4c: {  	_ =	shalt  }
0x4d: {  	_ =	shalt  }
0x4e: {  	_ =	shalt  }
0x4f: {  	_ =	shalt  }
0x50: {  	_ =	shalt  }
0x51: {  	_ =	shalt  }
0x52: {  	_ =	shalt  }
0x53: {  	_ =	shalt  }
0x54: {  	_ =	shalt  }
0x55: {  	_ =	shalt  }
0x56: {  	_ =	shalt  }
0x57: {  	_ =	shalt  }
0x58: {  	_ =	shalt  }
0x59: {  	_ =	shalt  }
0x5a: {  	_ =	shalt  }
0x5b: {  	_ =	shalt  }
0x5c: {  	_ =	shalt  }
0x5d: {  	_ =	shalt  }
0x5e: {  	_ =	shalt  }
0x5f: {  	_ =	shalt  }
0x60: {  	_ =	shalt  }
0x61: {  	_ =	shalt  }
0x62: {  	_ =	shalt  }
0x63: {  	_ =	shalt  }
0x64: {  	_ =	shalt  }
0x65: {  	_ =	shalt  }
0x66: {  	_ =	shalt  }
0x67: {  	_ =	shalt  }
0x68: {  	_ =	shalt  }
0x69: {  	_ =	shalt  }
0x6a: {  	_ =	shalt  }
0x6b: {  	_ =	shalt  }
0x6c: {  	_ =	shalt  }
0x6d: {  	_ =	shalt  }
0x6e: {  	_ =	shalt  }
0x6f: {  	_ =	shalt  }
0x70: {  	_ =	shalt  }
0x71: {  	_ =	shalt  }
0x72: {  	_ =	shalt  }
0x73: {  	_ =	shalt  }
0x74: {  	_ =	shalt  }
0x75: {  	_ =	shalt  }
0x76: {  	_ =	shalt  }
0x77: {  	_ =	shalt  }
0x78: {  	_ =	shalt  }
0x79: {  	_ =	shalt  }
0x7a: {  	_ =	shalt  }
0x7b: {  	_ =	shalt  }
0x7c: {  	_ =	shalt  }
0x7d: {  	_ =	shalt  }
0x7e: {  	_ =	shalt  }
0x7f: {  	_ =	shalt  }
0x80: {  	_ =	shalt  }
0x81: {  	_ =	shalt  }
0x82: {  	_ =	shalt  }
0x83: {  	_ =	shalt  }
0x84: {  	_ =	shalt  }
0x85: {  	_ =	shalt  }
0x86: {  	_ =	shalt  }
0x87: {  	_ =	shalt  }
.Lfunc_end0:
.L_simem_size_0:
called_computation_lowered:
.L_overlay_start_0:
0x88: {  	s2 =	sld [smem:$0x3FD9]  }
0x89: {  	s3 =	sld [smem:$0x3FFE];
	_ =	sdelay $0x1  }
0x8a: {  	s1 =	srdreg.scid  }
0x8b: {  	s0 =	sand.u32 $0x1, s1  }
0x8c: {  	s17 =	sshll.u32 s0, $0xA;
	s2 =	sadd.s32 s3, s2  }
0x8d: {  	s2 =	sadd.s32 s2, s17  }
0x8e: {  	[smem:$0x3FC5] =	sst s2  }
0x8f: {  	_ = 	snop  }
0x90: {  	s2 =	sld [smem:$0x3FD0];
	(tm) =	ssettm $0x1  }
0x91: {  	s18 =	sld [smem:$0x3FFB];
	_ =	sdelay $0x3  }
0x92: {  	_ =	strace s18  }
0x93: {  	s3 =	sld [smem:$0x3FFC];
	_ =	sdelay $0x3  }
0x94: {  	_ =	strace s3  }
0x95: {  	s3 =	sld [smem:$0x3FFD];
	_ =	sdelay $0x3  }
0x96: {  	_ =	strace s3  }
0x97: {  	_ =	strace $0x8FFFFFFF  }
0x98: {  	s19 =	sld [smem:$0x3FDB];
	_ =	sdelay $0x1  }
0x99: {  	s4 =	simm.s32 $_scs_section_size  }
0x9a: {  	s5 =	simm.s32 $_size__tile_overlayer_lowered;
	s6 =	simm.s32 $_tile_overlayer_lowered  }
0x9b: {  	s22 =	simm.s32 $0x1BFF;
	s21 =	sshll.u32 s6, $0x1;
	s3 =	sadd.s32 s4, s19  }
0x9c: {  	s7 =	simm.s32 $0x0;
	s20 =	sshll.u32 s5, $0x1;
	s5 =	sadd.s32 s21, s3  }
0x9d: {  	[timem:s7], [sflag:s22] =	dma.local [hbm:s5], s20  }
0x9e: {  	_ =	swait.ge [sflag:s22], s20  }
0x9f: {  	s4 =	ssub.s32 $0x0, s20;
	[sflag:s22] =	ssyncset.done $0x0  }
0xa0: {  	[sflag:s22] =	ssyncadd.s32 s4;
	_ =	sdelay $0x1  }
0xa1: {  	s23 =	simm.s32 $0x1B8B  }
0xa2: {  	_ =	swait.ge [sflag:s23], $0x1  }
0xa3: {  	[sflag:s23] =	ssyncset.done $0x0  }
0xa4: {  	s25 =	simm.s32 $0x1B8E;
	s24 =	sld [smem:$0x3FFE];
	[sflag:s23] =	ssyncadd.s32 $0xFFFFFFFF  }
0xa5: {  	s26 =	simm.s32 $execute0_lowered;
	[smem:$0x3FD2] =	sst s25  }
0xa6: {  	s5 =	sshll.u32 s26, $0x1;
	_ =	strace $0x80000046;
	[dreg:$0x1] =	wrdreg $0xFFFFFFFF  }
0xa7: {  	s28 =	simm.s32 $_size_execute0_lowered;
	s3 =	sadd.s32 s3, s5;
	[dreg:$0x0] =	wrdreg $0x0  }
0xa8: {  	s5 =	sshll.u32 s28, $0x1;
	[dreg:$0x2] =	wrdreg s3  }
0xa9: {  	[dreg:$0x3] =	wrdreg s5  }
0xaa: {  	[dreg:$0x4] =	wrdreg $0xC0  }
0xab: {  	_ =	task [dreg:s7], $0x5FFFF  }
0xac: {  	[dreg:$0x1] =	wrdreg $0xFFFFFFFF  }
0xad: {  	[dreg:$0x0] =	wrdreg $0x60  }
0xae: {  	[dreg:$0x2] =	wrdreg s24  }
0xaf: {  	[dreg:$0x3] =	wrdreg s2  }
0xb0: {  	[dreg:$0x4] =	wrdreg $0x9  }
0xb1: {  	_ =	task.clear_ibuf [dreg:s7], $0x5FFFF;
	_ =	strace $0x90000046  }
0xb2: {  	s29 =	simm.s32 $0x9;
	_ =	strace $0x80000048  }
0xb3: {  	_ =	swait.ge [sflag:s29], $0x1  }
0xb4: {  	[sflag:s29] =	ssyncadd.s32 $0xFFFFFFFF  }
0xb5: {  	_ =	strace $0x90000048  }
0xb6: {  	_ =	sfence  }
0xb7: {  	s30 =	sld [smem:$0x0];
	_ =	sdelay $0x2  }
0xb8: {  	s31 =	sshll.u32 s1, $0xD;
	s1 =	sshrl.u32 s1, $0x2  }
0xb9: {  	s3 =	sand.u32 $0x4000, s31;
	s1 =	sadd.s32 s1, s30  }
0xba: {  	s0 =	sor.u32 s3, s0;
	s1 =	sshll.u32 s1, $0x11  }
0xbb: {  	s0 =	sor.u32 s1, s0  }
0xbc: {  	s0 =	sadd.s32 $0x8F2B, s0  }
0xbd: {  	[sflag:s0] =	ssyncadd.remote.s32 $0x1  }
0xbe: {  	_ =	sfence.sel $0xFFFF  }
0xbf: {  	[dreg:$0x0] =	wrdreg $0xFFFFFFFF;
	(pc) =	sbr.abs _section_cstart, $3  }
0xc0: {  	[dreg:$0x1] =	wrdreg $0xFFFFFFFF  }
0xc1: {  	_ =	task.clear_ibuf [dreg:s7], $0x2FFFF;
	_ =	strace $0x9FFFFFFF  }
0xc2: {  	(tm) =	ssettm $0x7FFFFFFF  }
0xc3: {  	_ =	shalt  }
tec
execute0_lowered:
.L_overlay_start_1:
0x0: {  	(tag) =	ssettag $0x1  }
0x1: {  	v0 =	vimm.s32 $0x76543210;
	v1 =	vimm.s32 $0xFEDCBA98  }
0x2: {  	s1 =	srdreg.scid;
	v2 =	vimm.s32 $0xBA98FEDC;
	s4 =	rddreg [dreg:$0x0];
	v3 =	vimm.s32 $0x32107654;
	v4 =	vimm.s32 $0xDCFE98BA  }
0x3: {  	s0 =	stileid.u32;
	s5 =	rddreg [dreg:$0x1];
	v5 =	vimm.s32 $0x54761032;
	v6 =	vimm.s32 $0xEFCDAB89;
	v7 =	vimm.s32 $0x67452301  }
0x4: {  	s11 =	simm.s32 $0x6800;
	s12 =	simm.s32 $0x140;
	s13 =	simm.s32 $0x7200;
	vm0 =	vmmov $0x1;
	vm1 =	vcmask $0x314;
	vm2 =	vcmask $0x714  }
0x5: {  	s14 =	simm.s32 $0xC200;
	s15 =	simm.s32 $0x1;
	s16 =	simm.s32 $0x2;
	v0 =	vunpack.c.l.s4.s8 v0;
	v1 =	vunpack.c.l.s4.s8 v1;
	v2 =	vunpack.c.l.s4.s8 v2  }
0x6: {  	s17 =	simm.s32 $0x19200;
	s18 =	simm.s32 $0x0;
	s3 =	sand.u32 $0x1, s1;
	v3 =	vunpack.c.l.s4.s8 v3;
	v4 =	vunpack.c.l.s4.s8 v4;
	v5 =	vunpack.c.l.s4.s8 v5  }
0x7: {  	s31 =	sshll.u32 s0, $0xA;
	s1 =	rddreg [dreg:$0x2];
	v6 =	vunpack.c.l.s4.s8 v6;
	v7 =	vunpack.c.l.s4.s8 v7;
	s2 =	sshll.u32 s3, $0x9;
	v2 =	vunpack.c.0.s8.s32 v2  }
0x8: {  	s8 =	ssub.s32 $0x2, s3;
	s3 =	sadd.s32 $0x1E85000, s4;
	s6 =	sor.u32 s2, s31;
	v3 =	vunpack.c.0.s8.s32 v3;
	v4 =	vunpack.c.0.s8.s32 v4;
	v5 =	vunpack.c.0.s8.s32 v5  }
0x9: {  	s2 =	simm.s32 $0x0;
	s9 =	sshrl.u32 s8, $0x1;
	v1 =	vunpack.c.0.s8.s32 v1;
	v6 =	vunpack.c.0.s8.s32 v6;
	v7 =	vunpack.c.0.s8.s32 v7;
	s7 =	smul.u32 $0x3, s6  }
0xa: {  	[smem:$0x7FF] =	sst s2;
	s10 =	sadd.s32 s6, s4;
	s8 =	ssub.s32 s8, s9;
	v2 =	vcombine.low v3, v2;
	v3 =	vcombine.low v5, v4;
	v4 =	vunpack.c.0.s8.s32 v0  }
0xb: {  	vm3 =	vcmask $0xB14;
	s5 =	sadd.s32 s5, s6;
	s9 =	simm.s32 $0x3000;
	_ =	strace $0x80000047;
	v5 =	vcombine.low v7, v6;
	v1 =	vand.u32 $0xF, v1  }
0xc: {  	vm4 =	vcmask $0xF14;
	s6 =	sadd.s32 $0xC800, s10;
	v0 =	vlaneseq.u32;
	s10 =	simm.s32 $0x4000;
	s7 =	sadd.s32 s7, s4;
	v1 =	vcombine.low v1, v4  }
0xd: {  	s4 =	sadd.s32 $0x800, s7;
	s7 =	smax.u32 s8, $0x1;
	s8 =	simm.s32 $0x3;
	v2 =	vand.u32 $0xF, v2;
	v3 =	vand.u32 $0xF, v3;
	v4 =	vand.u32 $0xF, v5  }
.LBB2_1:
0xe: {  	[tilespmem:s2], [sflag:$0x3] =	stream.linear.gather [hbm4b:s4+s2], $0x3000, $0x38;
	[tilespmem:$0x19400] =	vst v63  }
0xf: {  	_ =	swait.ge [sflag:s8], $0x3000  }
0x10: {  	[sflag:s8] =	ssyncset.done $0x0  }
0x11: {  	[sflag:s8] =	ssyncadd.s32 $0xFFFFD000  }
0x12: {  	[tilespmem:s9], [sflag:$0x3] =	stream.linear.gather [hbm4b:s5+s2], $0x1000, $0x38;
	[tilespmem:$0x19400] =	vst v63  }
0x13: {  	_ =	swait.ge [sflag:s8], $0x1000  }
0x14: {  	[sflag:s8] =	ssyncset.done $0x0  }
0x15: {  	s19 =	simm.s32 $0x4;
	[sflag:s8] =	ssyncadd.s32 $0xFFFFF000  }
0x16: {  	v6 =	vld [tilespmem:s19+$0xFFFFFFFC]  }
0x17: {  	v5 =	vadd.s32 s2, v0;
	s20 =	simm.s32 $0x4;
	v7 =	vld [tilespmem:s19+$0x0]  }
0x18: {  	s31 =	simm.s32 $0x0;
	v8 =	vadd.s32 s20, v0  }
0x19: {  	v9 =	vadd.s32 s31, v0;
	_ =	sdelay $0x1  }
0x1a: {  	v6 =	vshll.u32 v6, $0x1  }
0x1b: {  	v7 =	vshll.u32 v7, $0x1;
	[tilespmem:v5+s10+$0x0] =	vst.idx.msk $0xffff, v6  }
0x1c: {  	[tilespmem:v8+s10+$0x0] =	vst.idx.msk $0xffff, v7  }
0x1d: {  	v6 =	vld.idx.msk [tilespmem:v9+s9+$0x0], $0x1f;
	_ =	sdelay $0x4  }
0x1e: {  	v6 =	vshll.u32 v6, $0x1  }
0x1f: {  	s21 =	simm.s32 $0x0;
	s22 =	simm.s32 $0x0;
	s20 =	simm.s32 $0x1;
	v6 =	vor.u32 $0x1, v6  }
.LBB2_2:
0x20: {  	[tilespmem:v5+s11+$0x0] =	vst.idx.msk $0x1f, v6;
	s21 =	sadd.s32 $0x5, s21;
	s22 =	sadd.s32 $0x14, s22;
	s19 =	sadd.s32 $0x18, s19  }
0x21: {  	p0 =	sne.s32 s20, $0x1FF;
	s23 =	smov.u32 s20;
	s20 =	sadd.s32 $0x1, s20;
	v5 =	vld [tilespmem:s19+$0xFFFFFFFC]  }
0x22: {  	v7 =	vadd.s32 s22, v0;
	s24 =	sadd.s32 $0x4, s22;
	v6 =	vld [tilespmem:s19+$0x0]  }
0x23: {  	s23 =	sshll.u32 s23, $0x3;
	v8 =	vadd.s32 s24, v0  }
0x24: {  	v9 =	vadd.s32 s23, v0;
	_ =	sdelay $0x1  }
0x25: {  	v5 =	vshll.u32 v5, $0x1  }
0x26: {  	v6 =	vshll.u32 v6, $0x1;
	[tilespmem:v7+s10+$0x0] =	vst.idx.msk $0xffff, v5  }
0x27: {  	[tilespmem:v8+s10+$0x0] =	vst.idx.msk $0xffff, v6  }
0x28: {  	v6 =	vld.idx.msk [tilespmem:v9+s9+$0x0], $0x1f;
	_ =	sdelay $0x2  }
.Ltmp0:
0x29: {  	v5 =	vadd.s32 s21, v0;
	(pc) =	sbr.rel @p0 .LBB2_2-.Ltmp0, $3  }
0x2a: {  	_ =	sdelay $0x1  }
0x2b: {  	v6 =	vshll.u32 v6, $0x1  }
0x2c: {  	v6 =	vor.u32 $0x1, v6  }
0x2d: {  	_ =	sdelay $0x3  }
0x2e: {  	[tilespmem:v5+s11+$0x0] =	vst.idx.msk $0x1f, v6;
	s19 =	simm.s32 $0x0;
	s20 =	simm.s32 $0x11230;
	s21 =	simm.s32 $0x11630  }
0x2f: {  	[tilespmem:s13], [sflag:$0x1] =	stream.indirect.gather [hbm4b:s3+s12], $0x40, s10, s12, $0xb8;
	[tilespmem:$0x19400] =	vst v63  }
.LBB2_4:
0x30: {  	s22 =	sshllo.u32 s19, $0x1  }
0x31: {  	s22 =	smul.u32 $0x500, s22;
	_ =	sdelay $0x1  }
0x32: {  	s22 =	sshra.s32 s22, $0x2  }
0x33: {  	s22 =	sadd.s32 $0x4000, s22  }
0x34: {  	[tilespmem:s14], [sflag:$0x2] =	stream.indirect.gather [hbm4b:s3+s12], $0x40, s22, s12, $0xb8;
	[tilespmem:$0x19400] =	vst v63  }
0x35: {  	_ =	swait.ge [sflag:s15], $0x5000  }
0x36: {  	[sflag:s15] =	ssyncset.done $0x0  }
0x37: {  	s22 =	simm.s32 $0x7480;
	[sflag:s15] =	ssyncadd.s32 $0xFFFFB000  }
0x38: {  	v6 =	vld [tilespmem:s22+$0x250]  }
0x39: {  	v7 =	vld [tilespmem:s22+$0x240]  }
0x3a: {  	v8 =	vld [tilespmem:s22+$0x210]  }
0x3b: {  	v5 =	vld [tilespmem:s22+$0x200]  }
0x3c: {  	v9 =	vld [tilespmem:s22+$0x1D0]  }
0x3d: {  	v10 =	vld [tilespmem:s22+$0x1C0]  }
0x3e: {  	v11 =	vld [tilespmem:s22+$0x190]  }
0x3f: {  	v12 =	vld [tilespmem:s22+$0x180]  }
0x40: {  	v13 =	vld [tilespmem:s22+$0x150]  }
0x41: {  	v14 =	vld [tilespmem:s22+$0x140]  }
0x42: {  	v15 =	vld [tilespmem:s22+$0x110]  }
0x43: {  	v16 =	vld [tilespmem:s22+$0x100]  }
0x44: {  	v17 =	vld [tilespmem:s22+$0xD0]  }
0x45: {  	v18 =	vld [tilespmem:s22+$0xC0]  }
0x46: {  	v19 =	vld [tilespmem:s22+$0x90]  }
0x47: {  	v20 =	vld [tilespmem:s22+$0x80]  }
0x48: {  	v21 =	vld [tilespmem:s22+$0x50]  }
0x49: {  	v22 =	vld [tilespmem:s22+$0x40]  }
0x4a: {  	v23 =	vld [tilespmem:s22+$0x10]  }
0x4b: {  	v24 =	vld [tilespmem:s22+$0x0]  }
0x4c: {  	v25 =	vld [tilespmem:s22+$0xFFFFFFD0]  }
0x4d: {  	v26 =	vld [tilespmem:s22+$0xFFFFFFC0]  }
0x4e: {  	v27 =	vld [tilespmem:s22+$0xFFFFFF90]  }
0x4f: {  	v28 =	vld [tilespmem:s22+$0xFFFFFF80]  }
0x50: {  	v29 =	vld [tilespmem:s22+$0xFFFFFF50]  }
0x51: {  	v30 =	vld [tilespmem:s22+$0xFFFFFF40]  }
0x52: {  	v31 =	vld [tilespmem:s22+$0xFFFFFF10]  }
0x53: {  	v32 =	vld [tilespmem:s22+$0xFFFFFF00]  }
0x54: {  	v33 =	vld [tilespmem:s22+$0xFFFFFED0]  }
0x55: {  	v34 =	vld [tilespmem:s22+$0xFFFFFEC0]  }
0x56: {  	v35 =	vld [tilespmem:s22+$0xFFFFFE90]  }
0x57: {  	v36 =	vld [tilespmem:s22+$0xFFFFFE80]  }
0x58: {  	v37 =	vld [tilespmem:s22+$0xFFFFFE50]  }
0x59: {  	v38 =	vld [tilespmem:s22+$0xFFFFFE40]  }
0x5a: {  	v39 =	vld [tilespmem:s22+$0xFFFFFE10]  }
0x5b: {  	v40 =	vld [tilespmem:s22+$0xFFFFFDF0]  }
0x5c: {  	v41 =	vld [tilespmem:s22+$0xFFFFFE00]  }
0x5d: {  	v42 =	vld [tilespmem:s22+$0xFFFFFDE0]  }
0x5e: {  	v43 =	vld [tilespmem:s22+$0xFFFFFDD0]  }
0x5f: {  	v44 =	vld [tilespmem:s22+$0xFFFFFD80]  }
0x60: {  	v45 =	vld [tilespmem:s22+$0xFFFFFDC0]  }
0x61: {  	v46 =	vld [tilespmem:s22+$0xFFFFFD90]  }
0x62: {  	v47 =	vld [tilespmem:s22+$0xFFFFFDA0]  }
0x63: {  	v48 =	vld [tilespmem:s22+$0xFFFFFDB0]  }
0x64: {  	v49 =	vld [tilespmem:s22+$0xFFFFFE20]  }
0x65: {  	v52 =	vld [tilespmem:s22+$0xFFFFFE30];
	v44 =	vadd.f32 v45, v44  }
0x66: {  	v53 =	vld [tilespmem:s22+$0xFFFFFE60];
	v43 =	vadd.f32 v43, v46  }
0x67: {  	v54 =	vld [tilespmem:s22+$0xFFFFFE70];
	v42 =	vadd.f32 v42, v47;
	v41 =	vadd.f32 v41, v44  }
0x68: {  	v55 =	vld [tilespmem:s22+$0xFFFFFEA0];
	v40 =	vadd.f32 v40, v48;
	v39 =	vadd.f32 v39, v43  }
0x69: {  	v56 =	vld [tilespmem:s22+$0xFFFFFEB0];
	v42 =	vadd.f32 v49, v42;
	v38 =	vadd.f32 v38, v41  }
0x6a: {  	v57 =	vld [tilespmem:s22+$0xFFFFFEE0];
	v40 =	vadd.f32 v52, v40;
	v37 =	vadd.f32 v37, v39  }
0x6b: {  	v58 =	vld [tilespmem:s22+$0xFFFFFEF0];
	v42 =	vadd.f32 v53, v42;
	v36 =	vadd.f32 v36, v38  }
0x6c: {  	v59 =	vld [tilespmem:s22+$0xFFFFFF20];
	v40 =	vadd.f32 v54, v40;
	v35 =	vadd.f32 v35, v37  }
0x6d: {  	v60 =	vld [tilespmem:s22+$0xFFFFFF30];
	v42 =	vadd.f32 v55, v42;
	v34 =	vadd.f32 v34, v36  }
0x6e: {  	v61 =	vld [tilespmem:s22+$0xFFFFFF60];
	v40 =	vadd.f32 v56, v40;
	v33 =	vadd.f32 v33, v35  }
0x6f: {  	v62 =	vld [tilespmem:s22+$0xFFFFFF70];
	v39 =	vadd.f32 v57, v42;
	v32 =	vadd.f32 v32, v34  }
0x70: {  	v63 =	vld [tilespmem:s22+$0xFFFFFFA0];
	v38 =	vadd.f32 v58, v40;
	v31 =	vadd.f32 v31, v33  }
0x71: {  	v40 =	vld [tilespmem:s22+$0xFFFFFFB0];
	v37 =	vadd.f32 v59, v39;
	v30 =	vadd.f32 v30, v32  }
0x72: {  	v41 =	vld [tilespmem:s22+$0xFFFFFFE0];
	v36 =	vadd.f32 v60, v38;
	v29 =	vadd.f32 v29, v31  }
0x73: {  	v42 =	vld [tilespmem:s22+$0xFFFFFFF0];
	v35 =	vadd.f32 v61, v37;
	v28 =	vadd.f32 v28, v30  }
0x74: {  	v43 =	vld [tilespmem:s22+$0x20];
	v34 =	vadd.f32 v62, v36;
	v27 =	vadd.f32 v27, v29  }
0x75: {  	v44 =	vld [tilespmem:s22+$0x30];
	v33 =	vadd.f32 v63, v35;
	v26 =	vadd.f32 v26, v28  }
0x76: {  	v45 =	vld [tilespmem:s22+$0x60];
	v32 =	vadd.f32 v40, v34;
	v25 =	vadd.f32 v25, v27  }
0x77: {  	v46 =	vld [tilespmem:s22+$0x70];
	v31 =	vadd.f32 v41, v33;
	v24 =	vadd.f32 v24, v26  }
0x78: {  	v47 =	vld [tilespmem:s22+$0xA0];
	v30 =	vadd.f32 v42, v32;
	v23 =	vadd.f32 v23, v25  }
0x79: {  	v48 =	vld [tilespmem:s22+$0xB0];
	v29 =	vadd.f32 v43, v31;
	v22 =	vadd.f32 v22, v24  }
0x7a: {  	v49 =	vld [tilespmem:s22+$0xE0];
	v28 =	vadd.f32 v44, v30;
	v21 =	vadd.f32 v21, v23  }
0x7b: {  	v50 =	vld [tilespmem:s22+$0xF0];
	v27 =	vadd.f32 v45, v29;
	v20 =	vadd.f32 v20, v22  }
0x7c: {  	v51 =	vld [tilespmem:s22+$0x120];
	v26 =	vadd.f32 v46, v28;
	v19 =	vadd.f32 v19, v21  }
0x7d: {  	v52 =	vld [tilespmem:s22+$0x130];
	v25 =	vadd.f32 v47, v27;
	v18 =	vadd.f32 v18, v20  }
0x7e: {  	v53 =	vld [tilespmem:s22+$0x160];
	v24 =	vadd.f32 v48, v26;
	v17 =	vadd.f32 v17, v19  }
0x7f: {  	v54 =	vld [tilespmem:s22+$0x170];
	v23 =	vadd.f32 v49, v25;
	v16 =	vadd.f32 v16, v18  }
0x80: {  	v55 =	vld [tilespmem:s22+$0x1A0];
	v22 =	vadd.f32 v50, v24;
	v15 =	vadd.f32 v15, v17  }
0x81: {  	v56 =	vld [tilespmem:s22+$0x1B0];
	v21 =	vadd.f32 v51, v23;
	v14 =	vadd.f32 v14, v16  }
0x82: {  	v57 =	vld [tilespmem:s22+$0x1E0];
	v20 =	vadd.f32 v52, v22;
	v13 =	vadd.f32 v13, v15  }
0x83: {  	v58 =	vld [tilespmem:s22+$0x1F0];
	v19 =	vadd.f32 v53, v21;
	v12 =	vadd.f32 v12, v14  }
0x84: {  	v59 =	vld [tilespmem:s22+$0x220];
	v18 =	vadd.f32 v54, v20;
	v11 =	vadd.f32 v11, v13  }
0x85: {  	v60 =	vld [tilespmem:s22+$0x230];
	v17 =	vadd.f32 v55, v19;
	v10 =	vadd.f32 v10, v12  }
0x86: {  	v61 =	vld [tilespmem:s22+$0x260];
	v16 =	vadd.f32 v56, v18;
	v9 =	vadd.f32 v9, v11  }
0x87: {  	v15 =	vadd.f32 v57, v17;
	v10 =	vadd.f32 v5, v10  }
0x88: {  	v62 =	vld [tilespmem:s22+$0x270];
	v14 =	vadd.f32 v58, v16;
	v5 =	vmov s20;
	v8 =	vadd.f32 v8, v9  }
0x89: {  	v63 =	vadd.f32 v59, v15;
	v7 =	vadd.f32 v7, v10  }
0x8a: {  	v6 =	vadd.f32 v6, v8  }
0x8b: {  	v8 =	vadd.f32 v60, v14;
	v9 =	vadd.f32 v61, v63;
	v7 =	vmul.f32 $5.000000070e-02, v7  }
0x8c: {  	s25 =	simm.s32 $0x0;
	v6 =	vmul.f32 $5.000000070e-02, v6  }
0x8d: {  	v8 =	vadd.f32 v62, v8;
	[tilespmem:v5+s25+$0xFFFFFFD0 ss:$0x1] =	vst.idx.msk $0xffff, v7;
	v7 =	vmul.f32 $5.000000070e-02, v9  }
0x8e: {  	[tilespmem:v5+s25+$0xFFFFFFE0 ss:$0x1] =	vst.idx.msk $0xffff, v6  }
0x8f: {  	s23 =	sshll.u32 s19, $0x1;
	s24 =	simm.s32 $0x100;
	v6 =	vmul.f32 $5.000000070e-02, v8;
	[tilespmem:v5+s25+$0xFFFFFFF0 ss:$0x1] =	vst.idx.msk $0xffff, v7  }
.LBB2_5:
0x90: {  	p0 =	sne.s32 s24, $0xF00  }
0x91: {  	[tilespmem:v5+s25+$0x0 ss:$0x1] =	vst.idx.msk $0xffff, v6;
	s22 =	sadd.s32 $0x500, s22;
	s25 =	smov.u32 s24;
	s24 =	sadd.s32 $0x100, s24  }
0x92: {  	v6 =	vld [tilespmem:s22+$0x250]  }
0x93: {  	v7 =	vld [tilespmem:s22+$0x240]  }
0x94: {  	v8 =	vld [tilespmem:s22+$0x210]  }
0x95: {  	v9 =	vld [tilespmem:s22+$0x200]  }
0x96: {  	v10 =	vld [tilespmem:s22+$0x1D0]  }
0x97: {  	v11 =	vld [tilespmem:s22+$0x1C0]  }
0x98: {  	v12 =	vld [tilespmem:s22+$0x190]  }
0x99: {  	v13 =	vld [tilespmem:s22+$0x180]  }
0x9a: {  	v14 =	vld [tilespmem:s22+$0x150]  }
0x9b: {  	v15 =	vld [tilespmem:s22+$0x140]  }
0x9c: {  	v16 =	vld [tilespmem:s22+$0x110]  }
0x9d: {  	v17 =	vld [tilespmem:s22+$0x100]  }
0x9e: {  	v18 =	vld [tilespmem:s22+$0xD0]  }
0x9f: {  	v19 =	vld [tilespmem:s22+$0xC0]  }
0xa0: {  	v20 =	vld [tilespmem:s22+$0x90]  }
0xa1: {  	v21 =	vld [tilespmem:s22+$0x80]  }
0xa2: {  	v22 =	vld [tilespmem:s22+$0x50]  }
0xa3: {  	v23 =	vld [tilespmem:s22+$0x40]  }
0xa4: {  	v24 =	vld [tilespmem:s22+$0x10]  }
0xa5: {  	v25 =	vld [tilespmem:s22+$0x0]  }
0xa6: {  	v26 =	vld [tilespmem:s22+$0xFFFFFFD0]  }
0xa7: {  	v27 =	vld [tilespmem:s22+$0xFFFFFFC0]  }
0xa8: {  	v28 =	vld [tilespmem:s22+$0xFFFFFF90]  }
0xa9: {  	v29 =	vld [tilespmem:s22+$0xFFFFFF80]  }
0xaa: {  	v30 =	vld [tilespmem:s22+$0xFFFFFF50]  }
0xab: {  	v31 =	vld [tilespmem:s22+$0xFFFFFF40]  }
0xac: {  	v32 =	vld [tilespmem:s22+$0xFFFFFF10]  }
0xad: {  	v33 =	vld [tilespmem:s22+$0xFFFFFF00]  }
0xae: {  	v34 =	vld [tilespmem:s22+$0xFFFFFED0]  }
0xaf: {  	v35 =	vld [tilespmem:s22+$0xFFFFFEC0]  }
0xb0: {  	v36 =	vld [tilespmem:s22+$0xFFFFFE90]  }
0xb1: {  	v37 =	vld [tilespmem:s22+$0xFFFFFE80]  }
0xb2: {  	v38 =	vld [tilespmem:s22+$0xFFFFFE50]  }
0xb3: {  	v39 =	vld [tilespmem:s22+$0xFFFFFE40]  }
0xb4: {  	v40 =	vld [tilespmem:s22+$0xFFFFFE10]  }
0xb5: {  	v41 =	vld [tilespmem:s22+$0xFFFFFDF0]  }
0xb6: {  	v42 =	vld [tilespmem:s22+$0xFFFFFE00]  }
0xb7: {  	v43 =	vld [tilespmem:s22+$0xFFFFFDE0]  }
0xb8: {  	v44 =	vld [tilespmem:s22+$0xFFFFFDD0]  }
0xb9: {  	v45 =	vld [tilespmem:s22+$0xFFFFFD80]  }
0xba: {  	v46 =	vld [tilespmem:s22+$0xFFFFFDC0]  }
0xbb: {  	v47 =	vld [tilespmem:s22+$0xFFFFFD90]  }
0xbc: {  	v48 =	vld [tilespmem:s22+$0xFFFFFDA0]  }
0xbd: {  	v49 =	vld [tilespmem:s22+$0xFFFFFDB0]  }
0xbe: {  	v50 =	vld [tilespmem:s22+$0xFFFFFE20]  }
0xbf: {  	v45 =	vadd.f32 v46, v45;
	v46 =	vld [tilespmem:s22+$0xFFFFFE30]  }
0xc0: {  	v44 =	vadd.f32 v44, v47;
	v47 =	vld [tilespmem:s22+$0xFFFFFE60]  }
0xc1: {  	v43 =	vadd.f32 v43, v48;
	v42 =	vadd.f32 v42, v45;
	v45 =	vld [tilespmem:s22+$0xFFFFFE70]  }
0xc2: {  	v41 =	vadd.f32 v41, v49;
	v40 =	vadd.f32 v40, v44;
	v44 =	vld [tilespmem:s22+$0xFFFFFEA0]  }
0xc3: {  	v43 =	vadd.f32 v50, v43;
	v39 =	vadd.f32 v39, v42;
	v42 =	vld [tilespmem:s22+$0xFFFFFEB0]  }
0xc4: {  	v41 =	vadd.f32 v46, v41;
	v38 =	vadd.f32 v38, v40;
	v40 =	vld [tilespmem:s22+$0xFFFFFEE0]  }
0xc5: {  	v43 =	vadd.f32 v47, v43;
	v37 =	vadd.f32 v37, v39;
	v39 =	vld [tilespmem:s22+$0xFFFFFEF0]  }
0xc6: {  	v41 =	vadd.f32 v45, v41;
	v36 =	vadd.f32 v36, v38;
	v38 =	vld [tilespmem:s22+$0xFFFFFF20]  }
0xc7: {  	v43 =	vadd.f32 v44, v43;
	v35 =	vadd.f32 v35, v37;
	v37 =	vld [tilespmem:s22+$0xFFFFFF30]  }
0xc8: {  	v41 =	vadd.f32 v42, v41;
	v34 =	vadd.f32 v34, v36;
	v36 =	vld [tilespmem:s22+$0xFFFFFF60]  }
0xc9: {  	v40 =	vadd.f32 v40, v43;
	v33 =	vadd.f32 v33, v35;
	v35 =	vld [tilespmem:s22+$0xFFFFFF70]  }
0xca: {  	v39 =	vadd.f32 v39, v41;
	v32 =	vadd.f32 v32, v34;
	v34 =	vld [tilespmem:s22+$0xFFFFFFA0]  }
0xcb: {  	v38 =	vadd.f32 v38, v40;
	v31 =	vadd.f32 v31, v33;
	v33 =	vld [tilespmem:s22+$0xFFFFFFB0]  }
0xcc: {  	v37 =	vadd.f32 v37, v39;
	v30 =	vadd.f32 v30, v32;
	v32 =	vld [tilespmem:s22+$0xFFFFFFE0]  }
0xcd: {  	v36 =	vadd.f32 v36, v38;
	v29 =	vadd.f32 v29, v31;
	v31 =	vld [tilespmem:s22+$0xFFFFFFF0]  }
0xce: {  	v35 =	vadd.f32 v35, v37;
	v28 =	vadd.f32 v28, v30;
	v30 =	vld [tilespmem:s22+$0x20]  }
0xcf: {  	v34 =	vadd.f32 v34, v36;
	v27 =	vadd.f32 v27, v29;
	v29 =	vld [tilespmem:s22+$0x30]  }
0xd0: {  	v33 =	vadd.f32 v33, v35;
	v26 =	vadd.f32 v26, v28;
	v28 =	vld [tilespmem:s22+$0x60]  }
0xd1: {  	v32 =	vadd.f32 v32, v34;
	v25 =	vadd.f32 v25, v27;
	v27 =	vld [tilespmem:s22+$0x70]  }
0xd2: {  	v31 =	vadd.f32 v31, v33;
	v24 =	vadd.f32 v24, v26;
	v26 =	vld [tilespmem:s22+$0xA0]  }
0xd3: {  	v30 =	vadd.f32 v30, v32;
	v23 =	vadd.f32 v23, v25;
	v25 =	vld [tilespmem:s22+$0xB0]  }
0xd4: {  	v29 =	vadd.f32 v29, v31;
	v22 =	vadd.f32 v22, v24;
	v24 =	vld [tilespmem:s22+$0xE0]  }
0xd5: {  	v28 =	vadd.f32 v28, v30;
	v21 =	vadd.f32 v21, v23;
	v23 =	vld [tilespmem:s22+$0xF0]  }
0xd6: {  	v27 =	vadd.f32 v27, v29;
	v20 =	vadd.f32 v20, v22;
	v22 =	vld [tilespmem:s22+$0x120]  }
0xd7: {  	v26 =	vadd.f32 v26, v28;
	v19 =	vadd.f32 v19, v21;
	v21 =	vld [tilespmem:s22+$0x130]  }
0xd8: {  	v25 =	vadd.f32 v25, v27;
	v18 =	vadd.f32 v18, v20;
	v20 =	vld [tilespmem:s22+$0x160]  }
0xd9: {  	v24 =	vadd.f32 v24, v26;
	v17 =	vadd.f32 v17, v19;
	v19 =	vld [tilespmem:s22+$0x170]  }
0xda: {  	v23 =	vadd.f32 v23, v25;
	v16 =	vadd.f32 v16, v18;
	v18 =	vld [tilespmem:s22+$0x1A0]  }
0xdb: {  	v22 =	vadd.f32 v22, v24;
	v15 =	vadd.f32 v15, v17;
	v17 =	vld [tilespmem:s22+$0x1B0]  }
0xdc: {  	v21 =	vadd.f32 v21, v23;
	v14 =	vadd.f32 v14, v16;
	v16 =	vld [tilespmem:s22+$0x1E0]  }
0xdd: {  	v20 =	vadd.f32 v20, v22;
	v13 =	vadd.f32 v13, v15;
	v15 =	vld [tilespmem:s22+$0x1F0]  }
0xde: {  	v19 =	vadd.f32 v19, v21;
	v12 =	vadd.f32 v12, v14;
	v14 =	vld [tilespmem:s22+$0x220]  }
0xdf: {  	v18 =	vadd.f32 v18, v20;
	v11 =	vadd.f32 v11, v13;
	v13 =	vld [tilespmem:s22+$0x230]  }
0xe0: {  	v17 =	vadd.f32 v17, v19;
	v10 =	vadd.f32 v10, v12;
	v12 =	vld [tilespmem:s22+$0x260]  }
0xe1: {  	v16 =	vadd.f32 v16, v18;
	v9 =	vadd.f32 v9, v11;
	v11 =	vld [tilespmem:s22+$0x270]  }
0xe2: {  	v15 =	vadd.f32 v15, v17;
	v8 =	vadd.f32 v8, v10  }
0xe3: {  	v10 =	vadd.f32 v14, v16;
	v7 =	vadd.f32 v7, v9  }
0xe4: {  	v9 =	vadd.f32 v13, v15;
	v6 =	vadd.f32 v6, v8  }
.Ltmp1:
0xe5: {  	v8 =	vadd.f32 v12, v10;
	v7 =	vmul.f32 $5.000000070e-02, v7;
	(pc) =	sbr.rel @p0 .LBB2_5-.Ltmp1, $4  }
0xe6: {  	s25 =	sshra.s32 s25, $0x2;
	v9 =	vadd.f32 v11, v9;
	v6 =	vmul.f32 $5.000000070e-02, v6  }
0xe7: {  	[tilespmem:v5+s25+$0xFFFFFFD0 ss:$0x1] =	vst.idx.msk $0xffff, v7;
	v7 =	vmul.f32 $5.000000070e-02, v8  }
0xe8: {  	[tilespmem:v5+s25+$0xFFFFFFE0 ss:$0x1] =	vst.idx.msk $0xffff, v6;
	v6 =	vmul.f32 $5.000000070e-02, v9  }
0xe9: {  	[tilespmem:v5+s25+$0xFFFFFFF0 ss:$0x1] =	vst.idx.msk $0xffff, v7  }
0xea: {  	s22 =	smin.u32 s23, $0x1D  }
0xeb: {  	s22 =	smul.u32 $0x500, s22;
	_ =	sdelay $0x1  }
0xec: {  	s22 =	sshrl.u32 s22, $0x2  }
0xed: {  	[tilespmem:v5+s25+$0x0 ss:$0x1] =	vst.idx.msk $0xffff, v6;
	s22 =	sadd.s32 $0x4280, s22  }
0xee: {  	[tilespmem:s13], [sflag:$0x1] =	stream.indirect.gather [hbm4b:s3+s12], $0x40, s22, s12, $0xb8;
	[tilespmem:$0x19400] =	vst v63  }
0xef: {  	_ =	swait.ge [sflag:s16], $0x5000  }
0xf0: {  	[sflag:s16] =	ssyncset.done $0x0  }
0xf1: {  	s22 =	simm.s32 $0xC480;
	[sflag:s16] =	ssyncadd.s32 $0xFFFFB000  }
0xf2: {  	v6 =	vld [tilespmem:s22+$0x250]  }
0xf3: {  	v7 =	vld [tilespmem:s22+$0x240]  }
0xf4: {  	v8 =	vld [tilespmem:s22+$0x210]  }
0xf5: {  	v5 =	vld [tilespmem:s22+$0x200]  }
0xf6: {  	v9 =	vld [tilespmem:s22+$0x1D0]  }
0xf7: {  	v10 =	vld [tilespmem:s22+$0x1C0]  }
0xf8: {  	v11 =	vld [tilespmem:s22+$0x190]  }
0xf9: {  	v12 =	vld [tilespmem:s22+$0x180]  }
0xfa: {  	v13 =	vld [tilespmem:s22+$0x150]  }
0xfb: {  	v14 =	vld [tilespmem:s22+$0x140]  }
0xfc: {  	v15 =	vld [tilespmem:s22+$0x110]  }
0xfd: {  	v16 =	vld [tilespmem:s22+$0x100]  }
0xfe: {  	v17 =	vld [tilespmem:s22+$0xD0]  }
0xff: {  	v18 =	vld [tilespmem:s22+$0xC0]  }
0x100: {  	v19 =	vld [tilespmem:s22+$0x90]  }
0x101: {  	v20 =	vld [tilespmem:s22+$0x80]  }
0x102: {  	v21 =	vld [tilespmem:s22+$0x50]  }
0x103: {  	v22 =	vld [tilespmem:s22+$0x40]  }
0x104: {  	v23 =	vld [tilespmem:s22+$0x10]  }
0x105: {  	v24 =	vld [tilespmem:s22+$0x0]  }
0x106: {  	v25 =	vld [tilespmem:s22+$0xFFFFFFD0]  }
0x107: {  	v26 =	vld [tilespmem:s22+$0xFFFFFFC0]  }
0x108: {  	v27 =	vld [tilespmem:s22+$0xFFFFFF90]  }
0x109: {  	v28 =	vld [tilespmem:s22+$0xFFFFFF80]  }
0x10a: {  	v29 =	vld [tilespmem:s22+$0xFFFFFF50]  }
0x10b: {  	v30 =	vld [tilespmem:s22+$0xFFFFFF40]  }
0x10c: {  	v31 =	vld [tilespmem:s22+$0xFFFFFF10]  }
0x10d: {  	v32 =	vld [tilespmem:s22+$0xFFFFFF00]  }
0x10e: {  	v33 =	vld [tilespmem:s22+$0xFFFFFED0]  }
0x10f: {  	v34 =	vld [tilespmem:s22+$0xFFFFFEC0]  }
0x110: {  	v35 =	vld [tilespmem:s22+$0xFFFFFE90]  }
0x111: {  	v36 =	vld [tilespmem:s22+$0xFFFFFE80]  }
0x112: {  	v37 =	vld [tilespmem:s22+$0xFFFFFE50]  }
0x113: {  	v38 =	vld [tilespmem:s22+$0xFFFFFE40]  }
0x114: {  	v39 =	vld [tilespmem:s22+$0xFFFFFE10]  }
0x115: {  	v40 =	vld [tilespmem:s22+$0xFFFFFDF0]  }
0x116: {  	v41 =	vld [tilespmem:s22+$0xFFFFFE00]  }
0x117: {  	v42 =	vld [tilespmem:s22+$0xFFFFFDE0]  }
0x118: {  	v43 =	vld [tilespmem:s22+$0xFFFFFDD0]  }
0x119: {  	v44 =	vld [tilespmem:s22+$0xFFFFFD80]  }
0x11a: {  	v45 =	vld [tilespmem:s22+$0xFFFFFDC0]  }
0x11b: {  	v46 =	vld [tilespmem:s22+$0xFFFFFD90]  }
0x11c: {  	v47 =	vld [tilespmem:s22+$0xFFFFFDA0]  }
0x11d: {  	v48 =	vld [tilespmem:s22+$0xFFFFFDB0]  }
0x11e: {  	v49 =	vld [tilespmem:s22+$0xFFFFFE20]  }
0x11f: {  	v52 =	vld [tilespmem:s22+$0xFFFFFE30];
	v44 =	vadd.f32 v45, v44  }
0x120: {  	v53 =	vld [tilespmem:s22+$0xFFFFFE60];
	v43 =	vadd.f32 v43, v46  }
0x121: {  	v54 =	vld [tilespmem:s22+$0xFFFFFE70];
	v42 =	vadd.f32 v42, v47;
	v41 =	vadd.f32 v41, v44  }
0x122: {  	v55 =	vld [tilespmem:s22+$0xFFFFFEA0];
	v40 =	vadd.f32 v40, v48;
	v39 =	vadd.f32 v39, v43  }
0x123: {  	v56 =	vld [tilespmem:s22+$0xFFFFFEB0];
	v42 =	vadd.f32 v49, v42;
	v38 =	vadd.f32 v38, v41  }
0x124: {  	v57 =	vld [tilespmem:s22+$0xFFFFFEE0];
	v40 =	vadd.f32 v52, v40;
	v37 =	vadd.f32 v37, v39  }
0x125: {  	v58 =	vld [tilespmem:s22+$0xFFFFFEF0];
	v42 =	vadd.f32 v53, v42;
	v36 =	vadd.f32 v36, v38  }
0x126: {  	v59 =	vld [tilespmem:s22+$0xFFFFFF20];
	v40 =	vadd.f32 v54, v40;
	v35 =	vadd.f32 v35, v37  }
0x127: {  	v60 =	vld [tilespmem:s22+$0xFFFFFF30];
	v42 =	vadd.f32 v55, v42;
	v34 =	vadd.f32 v34, v36  }
0x128: {  	v61 =	vld [tilespmem:s22+$0xFFFFFF60];
	v40 =	vadd.f32 v56, v40;
	v33 =	vadd.f32 v33, v35  }
0x129: {  	v62 =	vld [tilespmem:s22+$0xFFFFFF70];
	v39 =	vadd.f32 v57, v42;
	v32 =	vadd.f32 v32, v34  }
0x12a: {  	v63 =	vld [tilespmem:s22+$0xFFFFFFA0];
	v38 =	vadd.f32 v58, v40;
	v31 =	vadd.f32 v31, v33  }
0x12b: {  	v40 =	vld [tilespmem:s22+$0xFFFFFFB0];
	v37 =	vadd.f32 v59, v39;
	v30 =	vadd.f32 v30, v32  }
0x12c: {  	v41 =	vld [tilespmem:s22+$0xFFFFFFE0];
	v36 =	vadd.f32 v60, v38;
	v29 =	vadd.f32 v29, v31  }
0x12d: {  	v42 =	vld [tilespmem:s22+$0xFFFFFFF0];
	v35 =	vadd.f32 v61, v37;
	v28 =	vadd.f32 v28, v30  }
0x12e: {  	v43 =	vld [tilespmem:s22+$0x20];
	v34 =	vadd.f32 v62, v36;
	v27 =	vadd.f32 v27, v29  }
0x12f: {  	v44 =	vld [tilespmem:s22+$0x30];
	v33 =	vadd.f32 v63, v35;
	v26 =	vadd.f32 v26, v28  }
0x130: {  	v45 =	vld [tilespmem:s22+$0x60];
	v32 =	vadd.f32 v40, v34;
	v25 =	vadd.f32 v25, v27  }
0x131: {  	v46 =	vld [tilespmem:s22+$0x70];
	v31 =	vadd.f32 v41, v33;
	v24 =	vadd.f32 v24, v26  }
0x132: {  	v47 =	vld [tilespmem:s22+$0xA0];
	v30 =	vadd.f32 v42, v32;
	v23 =	vadd.f32 v23, v25  }
0x133: {  	v48 =	vld [tilespmem:s22+$0xB0];
	v29 =	vadd.f32 v43, v31;
	v22 =	vadd.f32 v22, v24  }
0x134: {  	v49 =	vld [tilespmem:s22+$0xE0];
	v28 =	vadd.f32 v44, v30;
	v21 =	vadd.f32 v21, v23  }
0x135: {  	v50 =	vld [tilespmem:s22+$0xF0];
	v27 =	vadd.f32 v45, v29;
	v20 =	vadd.f32 v20, v22  }
0x136: {  	v51 =	vld [tilespmem:s22+$0x120];
	v26 =	vadd.f32 v46, v28;
	v19 =	vadd.f32 v19, v21  }
0x137: {  	v52 =	vld [tilespmem:s22+$0x130];
	v25 =	vadd.f32 v47, v27;
	v18 =	vadd.f32 v18, v20  }
0x138: {  	v53 =	vld [tilespmem:s22+$0x160];
	v24 =	vadd.f32 v48, v26;
	v17 =	vadd.f32 v17, v19  }
0x139: {  	v54 =	vld [tilespmem:s22+$0x170];
	v23 =	vadd.f32 v49, v25;
	v16 =	vadd.f32 v16, v18  }
0x13a: {  	v55 =	vld [tilespmem:s22+$0x1A0];
	v22 =	vadd.f32 v50, v24;
	v15 =	vadd.f32 v15, v17  }
0x13b: {  	v56 =	vld [tilespmem:s22+$0x1B0];
	v21 =	vadd.f32 v51, v23;
	v14 =	vadd.f32 v14, v16  }
0x13c: {  	v57 =	vld [tilespmem:s22+$0x1E0];
	v20 =	vadd.f32 v52, v22;
	v13 =	vadd.f32 v13, v15  }
0x13d: {  	v58 =	vld [tilespmem:s22+$0x1F0];
	v19 =	vadd.f32 v53, v21;
	v12 =	vadd.f32 v12, v14  }
0x13e: {  	v59 =	vld [tilespmem:s22+$0x220];
	v18 =	vadd.f32 v54, v20;
	v11 =	vadd.f32 v11, v13  }
0x13f: {  	v60 =	vld [tilespmem:s22+$0x230];
	v17 =	vadd.f32 v55, v19;
	v10 =	vadd.f32 v10, v12  }
0x140: {  	v61 =	vld [tilespmem:s22+$0x260];
	v16 =	vadd.f32 v56, v18;
	v9 =	vadd.f32 v9, v11  }
0x141: {  	v15 =	vadd.f32 v57, v17;
	v10 =	vadd.f32 v5, v10  }
0x142: {  	v62 =	vld [tilespmem:s22+$0x270];
	v14 =	vadd.f32 v58, v16;
	v5 =	vmov s21;
	v8 =	vadd.f32 v8, v9  }
0x143: {  	v63 =	vadd.f32 v59, v15;
	v7 =	vadd.f32 v7, v10  }
0x144: {  	v6 =	vadd.f32 v6, v8  }
0x145: {  	v8 =	vadd.f32 v60, v14;
	v9 =	vadd.f32 v61, v63;
	v7 =	vmul.f32 $5.000000070e-02, v7  }
0x146: {  	s24 =	simm.s32 $0x0;
	v6 =	vmul.f32 $5.000000070e-02, v6  }
0x147: {  	v8 =	vadd.f32 v62, v8;
	[tilespmem:v5+s24+$0xFFFFFFD0 ss:$0x1] =	vst.idx.msk $0xffff, v7;
	v7 =	vmul.f32 $5.000000070e-02, v9  }
0x148: {  	[tilespmem:v5+s24+$0xFFFFFFE0 ss:$0x1] =	vst.idx.msk $0xffff, v6  }
0x149: {  	s23 =	simm.s32 $0x100;
	v6 =	vmul.f32 $5.000000070e-02, v8;
	[tilespmem:v5+s24+$0xFFFFFFF0 ss:$0x1] =	vst.idx.msk $0xffff, v7  }
.LBB2_7:
0x14a: {  	p0 =	sne.s32 s23, $0xF00  }
0x14b: {  	[tilespmem:v5+s24+$0x0 ss:$0x1] =	vst.idx.msk $0xffff, v6;
	s22 =	sadd.s32 $0x500, s22;
	s24 =	smov.u32 s23;
	s23 =	sadd.s32 $0x100, s23  }
0x14c: {  	v6 =	vld [tilespmem:s22+$0x250]  }
0x14d: {  	v7 =	vld [tilespmem:s22+$0x240]  }
0x14e: {  	v8 =	vld [tilespmem:s22+$0x210]  }
0x14f: {  	v9 =	vld [tilespmem:s22+$0x200]  }
0x150: {  	v10 =	vld [tilespmem:s22+$0x1D0]  }
0x151: {  	v11 =	vld [tilespmem:s22+$0x1C0]  }
0x152: {  	v12 =	vld [tilespmem:s22+$0x190]  }
0x153: {  	v13 =	vld [tilespmem:s22+$0x180]  }
0x154: {  	v14 =	vld [tilespmem:s22+$0x150]  }
0x155: {  	v15 =	vld [tilespmem:s22+$0x140]  }
0x156: {  	v16 =	vld [tilespmem:s22+$0x110]  }
0x157: {  	v17 =	vld [tilespmem:s22+$0x100]  }
0x158: {  	v18 =	vld [tilespmem:s22+$0xD0]  }
0x159: {  	v19 =	vld [tilespmem:s22+$0xC0]  }
0x15a: {  	v20 =	vld [tilespmem:s22+$0x90]  }
0x15b: {  	v21 =	vld [tilespmem:s22+$0x80]  }
0x15c: {  	v22 =	vld [tilespmem:s22+$0x50]  }
0x15d: {  	v23 =	vld [tilespmem:s22+$0x40]  }
0x15e: {  	v24 =	vld [tilespmem:s22+$0x10]  }
0x15f: {  	v25 =	vld [tilespmem:s22+$0x0]  }
0x160: {  	v26 =	vld [tilespmem:s22+$0xFFFFFFD0]  }
0x161: {  	v27 =	vld [tilespmem:s22+$0xFFFFFFC0]  }
0x162: {  	v28 =	vld [tilespmem:s22+$0xFFFFFF90]  }
0x163: {  	v29 =	vld [tilespmem:s22+$0xFFFFFF80]  }
0x164: {  	v30 =	vld [tilespmem:s22+$0xFFFFFF50]  }
0x165: {  	v31 =	vld [tilespmem:s22+$0xFFFFFF40]  }
0x166: {  	v32 =	vld [tilespmem:s22+$0xFFFFFF10]  }
0x167: {  	v33 =	vld [tilespmem:s22+$0xFFFFFF00]  }
0x168: {  	v34 =	vld [tilespmem:s22+$0xFFFFFED0]  }
0x169: {  	v35 =	vld [tilespmem:s22+$0xFFFFFEC0]  }
0x16a: {  	v36 =	vld [tilespmem:s22+$0xFFFFFE90]  }
0x16b: {  	v37 =	vld [tilespmem:s22+$0xFFFFFE80]  }
0x16c: {  	v38 =	vld [tilespmem:s22+$0xFFFFFE50]  }
0x16d: {  	v39 =	vld [tilespmem:s22+$0xFFFFFE40]  }
0x16e: {  	v40 =	vld [tilespmem:s22+$0xFFFFFE10]  }
0x16f: {  	v41 =	vld [tilespmem:s22+$0xFFFFFDF0]  }
0x170: {  	v42 =	vld [tilespmem:s22+$0xFFFFFE00]  }
0x171: {  	v43 =	vld [tilespmem:s22+$0xFFFFFDE0]  }
0x172: {  	v44 =	vld [tilespmem:s22+$0xFFFFFDD0]  }
0x173: {  	v45 =	vld [tilespmem:s22+$0xFFFFFD80]  }
0x174: {  	v46 =	vld [tilespmem:s22+$0xFFFFFDC0]  }
0x175: {  	v47 =	vld [tilespmem:s22+$0xFFFFFD90]  }
0x176: {  	v48 =	vld [tilespmem:s22+$0xFFFFFDA0]  }
0x177: {  	v49 =	vld [tilespmem:s22+$0xFFFFFDB0]  }
0x178: {  	v50 =	vld [tilespmem:s22+$0xFFFFFE20]  }
0x179: {  	v45 =	vadd.f32 v46, v45;
	v46 =	vld [tilespmem:s22+$0xFFFFFE30]  }
0x17a: {  	v44 =	vadd.f32 v44, v47;
	v47 =	vld [tilespmem:s22+$0xFFFFFE60]  }
0x17b: {  	v43 =	vadd.f32 v43, v48;
	v42 =	vadd.f32 v42, v45;
	v45 =	vld [tilespmem:s22+$0xFFFFFE70]  }
0x17c: {  	v41 =	vadd.f32 v41, v49;
	v40 =	vadd.f32 v40, v44;
	v44 =	vld [tilespmem:s22+$0xFFFFFEA0]  }
0x17d: {  	v43 =	vadd.f32 v50, v43;
	v39 =	vadd.f32 v39, v42;
	v42 =	vld [tilespmem:s22+$0xFFFFFEB0]  }
0x17e: {  	v41 =	vadd.f32 v46, v41;
	v38 =	vadd.f32 v38, v40;
	v40 =	vld [tilespmem:s22+$0xFFFFFEE0]  }
0x17f: {  	v43 =	vadd.f32 v47, v43;
	v37 =	vadd.f32 v37, v39;
	v39 =	vld [tilespmem:s22+$0xFFFFFEF0]  }
0x180: {  	v41 =	vadd.f32 v45, v41;
	v36 =	vadd.f32 v36, v38;
	v38 =	vld [tilespmem:s22+$0xFFFFFF20]  }
0x181: {  	v43 =	vadd.f32 v44, v43;
	v35 =	vadd.f32 v35, v37;
	v37 =	vld [tilespmem:s22+$0xFFFFFF30]  }
0x182: {  	v41 =	vadd.f32 v42, v41;
	v34 =	vadd.f32 v34, v36;
	v36 =	vld [tilespmem:s22+$0xFFFFFF60]  }
0x183: {  	v40 =	vadd.f32 v40, v43;
	v33 =	vadd.f32 v33, v35;
	v35 =	vld [tilespmem:s22+$0xFFFFFF70]  }
0x184: {  	v39 =	vadd.f32 v39, v41;
	v32 =	vadd.f32 v32, v34;
	v34 =	vld [tilespmem:s22+$0xFFFFFFA0]  }
0x185: {  	v38 =	vadd.f32 v38, v40;
	v31 =	vadd.f32 v31, v33;
	v33 =	vld [tilespmem:s22+$0xFFFFFFB0]  }
0x186: {  	v37 =	vadd.f32 v37, v39;
	v30 =	vadd.f32 v30, v32;
	v32 =	vld [tilespmem:s22+$0xFFFFFFE0]  }
0x187: {  	v36 =	vadd.f32 v36, v38;
	v29 =	vadd.f32 v29, v31;
	v31 =	vld [tilespmem:s22+$0xFFFFFFF0]  }
0x188: {  	v35 =	vadd.f32 v35, v37;
	v28 =	vadd.f32 v28, v30;
	v30 =	vld [tilespmem:s22+$0x20]  }
0x189: {  	v34 =	vadd.f32 v34, v36;
	v27 =	vadd.f32 v27, v29;
	v29 =	vld [tilespmem:s22+$0x30]  }
0x18a: {  	v33 =	vadd.f32 v33, v35;
	v26 =	vadd.f32 v26, v28;
	v28 =	vld [tilespmem:s22+$0x60]  }
0x18b: {  	v32 =	vadd.f32 v32, v34;
	v25 =	vadd.f32 v25, v27;
	v27 =	vld [tilespmem:s22+$0x70]  }
0x18c: {  	v31 =	vadd.f32 v31, v33;
	v24 =	vadd.f32 v24, v26;
	v26 =	vld [tilespmem:s22+$0xA0]  }
0x18d: {  	v30 =	vadd.f32 v30, v32;
	v23 =	vadd.f32 v23, v25;
	v25 =	vld [tilespmem:s22+$0xB0]  }
0x18e: {  	v29 =	vadd.f32 v29, v31;
	v22 =	vadd.f32 v22, v24;
	v24 =	vld [tilespmem:s22+$0xE0]  }
0x18f: {  	v28 =	vadd.f32 v28, v30;
	v21 =	vadd.f32 v21, v23;
	v23 =	vld [tilespmem:s22+$0xF0]  }
0x190: {  	v27 =	vadd.f32 v27, v29;
	v20 =	vadd.f32 v20, v22;
	v22 =	vld [tilespmem:s22+$0x120]  }
0x191: {  	v26 =	vadd.f32 v26, v28;
	v19 =	vadd.f32 v19, v21;
	v21 =	vld [tilespmem:s22+$0x130]  }
0x192: {  	v25 =	vadd.f32 v25, v27;
	v18 =	vadd.f32 v18, v20;
	v20 =	vld [tilespmem:s22+$0x160]  }
0x193: {  	v24 =	vadd.f32 v24, v26;
	v17 =	vadd.f32 v17, v19;
	v19 =	vld [tilespmem:s22+$0x170]  }
0x194: {  	v23 =	vadd.f32 v23, v25;
	v16 =	vadd.f32 v16, v18;
	v18 =	vld [tilespmem:s22+$0x1A0]  }
0x195: {  	v22 =	vadd.f32 v22, v24;
	v15 =	vadd.f32 v15, v17;
	v17 =	vld [tilespmem:s22+$0x1B0]  }
0x196: {  	v21 =	vadd.f32 v21, v23;
	v14 =	vadd.f32 v14, v16;
	v16 =	vld [tilespmem:s22+$0x1E0]  }
0x197: {  	v20 =	vadd.f32 v20, v22;
	v13 =	vadd.f32 v13, v15;
	v15 =	vld [tilespmem:s22+$0x1F0]  }
0x198: {  	v19 =	vadd.f32 v19, v21;
	v12 =	vadd.f32 v12, v14;
	v14 =	vld [tilespmem:s22+$0x220]  }
0x199: {  	v18 =	vadd.f32 v18, v20;
	v11 =	vadd.f32 v11, v13;
	v13 =	vld [tilespmem:s22+$0x230]  }
0x19a: {  	v17 =	vadd.f32 v17, v19;
	v10 =	vadd.f32 v10, v12;
	v12 =	vld [tilespmem:s22+$0x260]  }
0x19b: {  	v16 =	vadd.f32 v16, v18;
	v9 =	vadd.f32 v9, v11;
	v11 =	vld [tilespmem:s22+$0x270]  }
0x19c: {  	v15 =	vadd.f32 v15, v17;
	v8 =	vadd.f32 v8, v10  }
0x19d: {  	v10 =	vadd.f32 v14, v16;
	v7 =	vadd.f32 v7, v9  }
0x19e: {  	v9 =	vadd.f32 v13, v15;
	v6 =	vadd.f32 v6, v8  }
.Ltmp2:
0x19f: {  	v8 =	vadd.f32 v12, v10;
	v7 =	vmul.f32 $5.000000070e-02, v7;
	(pc) =	sbr.rel @p0 .LBB2_7-.Ltmp2, $4  }
0x1a0: {  	s24 =	sshra.s32 s24, $0x2;
	v9 =	vadd.f32 v11, v9;
	v6 =	vmul.f32 $5.000000070e-02, v6  }
0x1a1: {  	[tilespmem:v5+s24+$0xFFFFFFD0 ss:$0x1] =	vst.idx.msk $0xffff, v7;
	v7 =	vmul.f32 $5.000000070e-02, v8  }
0x1a2: {  	[tilespmem:v5+s24+$0xFFFFFFE0 ss:$0x1] =	vst.idx.msk $0xffff, v6;
	v6 =	vmul.f32 $5.000000070e-02, v9  }
0x1a3: {  	[tilespmem:v5+s24+$0xFFFFFFF0 ss:$0x1] =	vst.idx.msk $0xffff, v7  }
0x1a4: {  	s19 =	sadd.s32 $0x1, s19  }
0x1a5: {  	p0 =	sne.s32 s19, $0x10  }
.Ltmp3:
0x1a6: {  	_ = 	snop;
	(pc) =	sbr.rel @p0 .LBB2_4-.Ltmp3, $2  }
0x1a7: {  	_ =	sdelay $0x2  }
0x1a8: {  	[tilespmem:v5+s24+$0x0 ss:$0x1] =	vst.idx.msk $0xffff, v6;
	s20 =	sadd.s32 $0x800, s20;
	s21 =	sadd.s32 $0x800, s21  }
0x1a9: {  	_ =	swait.ge [sflag:s15], $0x5000  }
0x1aa: {  	s19 =	simm.s32 $0x0;
	[sflag:s15] =	ssyncset.done $0x0  }
0x1ab: {  	s20 =	simm.s32 $0x11220;
	s21 =	simm.s32 $0x12230;
	[sflag:s15] =	ssyncadd.s32 $0xFFFFB000  }
0x1ac: {  	[tilespmem:s13], [sflag:$0x1] =	stream.indirect.gather [hbm4b:s3+s12], $0x40, s11, s12, $0xb8;
	[tilespmem:$0x19400] =	vst v63  }
.LBB2_10:
0x1ad: {  	s22 =	sshllo.u32 s19, $0x1  }
0x1ae: {  	s23 =	smul.u32 $0x500, s22;
	_ =	sdelay $0x1  }
0x1af: {  	s23 =	sshra.s32 s23, $0x2  }
0x1b0: {  	s23 =	sadd.s32 $0x6800, s23  }
0x1b1: {  	[tilespmem:s14], [sflag:$0x2] =	stream.indirect.gather [hbm4b:s3+s12], $0x40, s23, s12, $0xb8;
	[tilespmem:$0x19400] =	vst v63  }
0x1b2: {  	_ =	swait.ge [sflag:s15], $0x5000  }
0x1b3: {  	[sflag:s15] =	ssyncset.done $0x0  }
0x1b4: {  	s25 =	simm.s32 $0x72A0;
	[sflag:s15] =	ssyncadd.s32 $0xFFFFB000  }
0x1b5: {  	v5 =	vld [tilespmem:s25+$0x90]  }
0x1b6: {  	v13 =	vld [tilespmem:s25+$0x10]  }
0x1b7: {  	v10 =	vld [tilespmem:s25+$0x60]  }
0x1b8: {  	v8 =	vld [tilespmem:s25+$0x70]  }
0x1b9: {  	v17 =	vld [tilespmem:s25+$0xFFFFFFD0]  }
0x1ba: {  	v11 =	vld [tilespmem:s25+$0x20]  }
0x1bb: {  	v18 =	vld [tilespmem:s25+$0xFFFFFF90]  }
0x1bc: {  	v19 =	vld [tilespmem:s25+$0xFFFFFFC0]  }
0x1bd: {  	v9 =	vld [tilespmem:s25+$0xFFFFFFE0]  }
0x1be: {  	v20 =	vld [tilespmem:s25+$0xFFFFFF80]  }
0x1bf: {  	v15 =	vld [tilespmem:s25+$0xFFFFFFA0]  }
0x1c0: {  	v6 =	vld [tilespmem:s20+$0x10]  }
0x1c1: {  	v16 =	vld [tilespmem:s25+$0xFFFFFF60]  }
0x1c2: {  	v7 =	vld [tilespmem:s20+$0x0]  }
0x1c3: {  	v14 =	vld [tilespmem:s20+$0xFFFFFFE0]  }
0x1c4: {  	s24 =	sshll.u32 s19, $0x1;
	v21 =	vld [tilespmem:s25+$0xFFFFFF70]  }
0x1c5: {  	s26 =	simm.s32 $0x1;
	s28 =	smov.u32 s20;
	s23 =	simm.s32 $0x0;
	v12 =	vld [tilespmem:s20+$0xFFFFFFF0];
	v5 =	vmul.f32 v5, v6  }
.LBB2_11:
0x1c6: {  	p0 =	sne.s32 s26, $0x3F;
	v22 =	vld [tilespmem:s25+$0xFFFFFFB0];
	v17 =	vmul.f32 v17, v6;
	v13 =	vmul.f32 v13, v6  }
0x1c7: {  	v18 =	vmul.f32 v18, v6;
	v19 =	vmul.f32 v19, v7;
	v23 =	vld [tilespmem:s25+$0xFFFFFFF0]  }
0x1c8: {  	v20 =	vmul.f32 v20, v7;
	v24 =	vld [tilespmem:s25+$0x30];
	v10 =	vmul.f32 v10, v14  }
0x1c9: {  	v15 =	vmul.f32 v15, v14;
	v11 =	vmul.f32 v11, v14;
	v25 =	vld [tilespmem:s25+$0x0]  }
0x1ca: {  	v16 =	vmul.f32 v16, v14;
	v21 =	vmul.f32 v21, v12;
	v26 =	vld [tilespmem:s25+$0x40]  }
0x1cb: {  	v8 =	vmul.f32 v8, v12;
	v22 =	vmul.f32 v22, v12;
	v27 =	vld [tilespmem:s25+$0x80]  }
0x1cc: {  	v9 =	vmul.f32 v9, v14;
	v16 =	vadd.f32 v21, v16;
	v14 =	vmul.f32 v23, v12;
	v21 =	vld [tilespmem:s25+$0x50]  }
0x1cd: {  	v8 =	vadd.f32 v8, v10;
	v15 =	vadd.f32 v22, v15;
	v12 =	vmul.f32 v24, v12  }
0x1ce: {  	v10 =	vadd.f32 v20, v16;
	v9 =	vadd.f32 v14, v9;
	v14 =	vmul.f32 v25, v7  }
0x1cf: {  	v15 =	vadd.f32 v19, v15;
	v11 =	vadd.f32 v12, v11;
	v12 =	vmul.f32 v26, v7  }
0x1d0: {  	v10 =	vadd.f32 v18, v10;
	v9 =	vadd.f32 v14, v9;
	v7 =	vmul.f32 v27, v7  }
0x1d1: {  	v14 =	vadd.f32 v17, v15;
	v11 =	vadd.f32 v12, v11;
	v6 =	vmul.f32 v21, v6  }
0x1d2: {  	v12 =	vperm.xlane v10, v1;
	v9 =	vadd.f32 v13, v9;
	v7 =	vadd.f32 v7, v8  }
0x1d3: {  	v8 =	vperm.xlane v14, v1;
	v6 =	vadd.f32 v6, v11  }
0x1d4: {  	v10 =	vadd.f32 v10, v12;
	v11 =	vperm.xlane v9, v1;
	v5 =	vadd.f32 v5, v7  }
0x1d5: {  	v7 =	vadd.f32 v14, v8;
	v8 =	vperm.xlane v6, v1  }
0x1d6: {  	v12 =	vperm.xlane v10, v2;
	v9 =	vadd.f32 v9, v11;
	v11 =	vperm.xlane v5, v1  }
0x1d7: {  	v13 =	vperm.xlane v7, v2;
	v6 =	vadd.f32 v6, v8  }
0x1d8: {  	v8 =	vadd.f32 v10, v12;
	v10 =	vperm.xlane v9, v2;
	v5 =	vadd.f32 v5, v11  }
0x1d9: {  	v7 =	vadd.f32 v7, v13;
	v11 =	vperm.xlane v6, v2  }
0x1da: {  	v12 =	vperm.xlane v8, v3;
	v9 =	vadd.f32 v9, v10;
	v10 =	vperm.xlane v5, v2  }
0x1db: {  	v13 =	vperm.xlane v7, v3;
	v6 =	vadd.f32 v6, v11  }
0x1dc: {  	v8 =	vadd.f32 v8, v12;
	v11 =	vperm.xlane v9, v3;
	v5 =	vadd.f32 v5, v10  }
0x1dd: {  	v7 =	vadd.f32 v7, v13;
	v10 =	vperm.xlane v6, v3  }
0x1de: {  	v12 =	vperm.xlane v8, v4;
	v9 =	vadd.f32 v9, v11;
	v11 =	vperm.xlane v5, v3  }
0x1df: {  	v13 =	vperm.xlane v7, v4;
	v6 =	vadd.f32 v6, v10  }
0x1e0: {  	s29 =	sshll.u32 s23, $0x3;
	s23 =	smov.u32 s26;
	v8 =	vadd.f32 v8, v12;
	v10 =	vperm.xlane v9, v4;
	v5 =	vadd.f32 v5, v11  }
0x1e1: {  	v12 =	vadd.s32 s29, v0;
	v7 =	vadd.f32 v7, v13;
	v11 =	vperm.xlane v6, v4  }
0x1e2: {  	v8 =	vnsel vm0, $0x0, v8;
	v9 =	vadd.f32 v9, v10;
	v10 =	vperm.xlane v5, v4  }
0x1e3: {  	v7 =	vsel vm1, v8, v7;
	v6 =	vadd.f32 v6, v11  }
0x1e4: {  	v7 =	vsel vm2, v7, v9;
	v5 =	vadd.f32 v5, v10  }
0x1e5: {  	v6 =	vsel vm3, v7, v6  }
0x1e6: {  	v5 =	vsel vm4, v6, v5  }
0x1e7: {  	s25 =	sadd.s32 $0x140, s25;
	[tilespmem:v12+s17+$0x0] =	vst.idx.msk $0x1f, v5  }
0x1e8: {  	v5 =	vld [tilespmem:s25+$0x90]  }
0x1e9: {  	v13 =	vld [tilespmem:s25+$0x10]  }
0x1ea: {  	v10 =	vld [tilespmem:s25+$0x60]  }
0x1eb: {  	v8 =	vld [tilespmem:s25+$0x70]  }
0x1ec: {  	v17 =	vld [tilespmem:s25+$0xFFFFFFD0]  }
0x1ed: {  	v11 =	vld [tilespmem:s25+$0x20]  }
0x1ee: {  	v18 =	vld [tilespmem:s25+$0xFFFFFF90]  }
0x1ef: {  	v19 =	vld [tilespmem:s25+$0xFFFFFFC0]  }
0x1f0: {  	v9 =	vld [tilespmem:s25+$0xFFFFFFE0]  }
0x1f1: {  	v20 =	vld [tilespmem:s25+$0xFFFFFF80]  }
0x1f2: {  	s28 =	sadd.s32 $0x40, s28;
	v15 =	vld [tilespmem:s25+$0xFFFFFFA0]  }
0x1f3: {  	v6 =	vld [tilespmem:s28+$0x10]  }
.Ltmp4:
0x1f4: {  	v16 =	vld [tilespmem:s25+$0xFFFFFF60];
	(pc) =	sbr.rel @p0 .LBB2_11-.Ltmp4, $4  }
0x1f5: {  	v7 =	vld [tilespmem:s28+$0x0]  }
0x1f6: {  	v14 =	vld [tilespmem:s28+$0xFFFFFFE0]  }
0x1f7: {  	v21 =	vld [tilespmem:s25+$0xFFFFFF70]  }
0x1f8: {  	s26 =	sadd.s32 $0x1, s26;
	v12 =	vld [tilespmem:s28+$0xFFFFFFF0];
	v5 =	vmul.f32 v5, v6  }
0x1f9: {  	v22 =	vld [tilespmem:s25+$0xFFFFFFB0];
	v17 =	vmul.f32 v17, v6;
	v13 =	vmul.f32 v13, v6  }
0x1fa: {  	v18 =	vmul.f32 v18, v6;
	v23 =	vld [tilespmem:s25+$0xFFFFFFF0];
	v19 =	vmul.f32 v19, v7  }
0x1fb: {  	v24 =	vld [tilespmem:s25+$0x30];
	v20 =	vmul.f32 v20, v7;
	v10 =	vmul.f32 v10, v14  }
0x1fc: {  	v25 =	vld [tilespmem:s25+$0x0];
	v15 =	vmul.f32 v15, v14;
	v11 =	vmul.f32 v11, v14  }
0x1fd: {  	v26 =	vld [tilespmem:s25+$0x40];
	v16 =	vmul.f32 v16, v14;
	v21 =	vmul.f32 v21, v12  }
0x1fe: {  	v27 =	vld [tilespmem:s25+$0x80];
	v8 =	vmul.f32 v8, v12;
	v22 =	vmul.f32 v22, v12  }
0x1ff: {  	v9 =	vmul.f32 v9, v14;
	v14 =	vmul.f32 v23, v12;
	v16 =	vadd.f32 v21, v16;
	v21 =	vld [tilespmem:s25+$0x50]  }
0x200: {  	v12 =	vmul.f32 v24, v12;
	v8 =	vadd.f32 v8, v10;
	v15 =	vadd.f32 v22, v15  }
0x201: {  	v9 =	vadd.f32 v14, v9;
	v14 =	vmul.f32 v25, v7;
	v10 =	vadd.f32 v20, v16  }
0x202: {  	v11 =	vadd.f32 v12, v11;
	v12 =	vmul.f32 v26, v7;
	v15 =	vadd.f32 v19, v15  }
0x203: {  	v7 =	vmul.f32 v27, v7;
	v9 =	vadd.f32 v14, v9;
	v10 =	vadd.f32 v18, v10  }
0x204: {  	v11 =	vadd.f32 v12, v11;
	v14 =	vadd.f32 v17, v15;
	v6 =	vmul.f32 v21, v6  }
0x205: {  	v7 =	vadd.f32 v7, v8;
	v9 =	vadd.f32 v13, v9;
	v12 =	vperm.xlane v10, v1  }
0x206: {  	v8 =	vperm.xlane v14, v1;
	v6 =	vadd.f32 v6, v11  }
0x207: {  	v5 =	vadd.f32 v5, v7;
	v11 =	vperm.xlane v9, v1;
	v10 =	vadd.f32 v10, v12  }
0x208: {  	v7 =	vadd.f32 v14, v8;
	v8 =	vperm.xlane v6, v1  }
0x209: {  	v9 =	vadd.f32 v9, v11;
	v11 =	vperm.xlane v5, v1;
	v12 =	vperm.xlane v10, v2  }
0x20a: {  	v13 =	vperm.xlane v7, v2;
	v6 =	vadd.f32 v6, v8  }
0x20b: {  	v5 =	vadd.f32 v5, v11;
	v8 =	vadd.f32 v10, v12;
	v10 =	vperm.xlane v9, v2  }
0x20c: {  	v7 =	vadd.f32 v7, v13;
	v11 =	vperm.xlane v6, v2  }
0x20d: {  	v12 =	vperm.xlane v8, v3;
	v9 =	vadd.f32 v9, v10;
	v10 =	vperm.xlane v5, v2  }
0x20e: {  	v13 =	vperm.xlane v7, v3;
	v6 =	vadd.f32 v6, v11  }
0x20f: {  	v8 =	vadd.f32 v8, v12;
	v11 =	vperm.xlane v9, v3;
	v5 =	vadd.f32 v5, v10  }
0x210: {  	v7 =	vadd.f32 v7, v13;
	v10 =	vperm.xlane v6, v3  }
0x211: {  	v12 =	vperm.xlane v8, v4;
	v9 =	vadd.f32 v9, v11;
	v11 =	vperm.xlane v5, v3  }
0x212: {  	v13 =	vperm.xlane v7, v4;
	v6 =	vadd.f32 v6, v10  }
0x213: {  	s23 =	sshll.u32 s23, $0x3;
	v8 =	vadd.f32 v8, v12;
	v10 =	vperm.xlane v9, v4;
	v5 =	vadd.f32 v5, v11  }
0x214: {  	v12 =	vadd.s32 s23, v0;
	v7 =	vadd.f32 v7, v13;
	v11 =	vperm.xlane v6, v4  }
0x215: {  	v8 =	vnsel vm0, $0x0, v8;
	v9 =	vadd.f32 v9, v10;
	v10 =	vperm.xlane v5, v4  }
0x216: {  	v7 =	vsel vm1, v8, v7;
	v6 =	vadd.f32 v6, v11  }
0x217: {  	v7 =	vsel vm2, v7, v9;
	v5 =	vadd.f32 v5, v10  }
0x218: {  	v6 =	vsel vm3, v7, v6  }
0x219: {  	s30 =	sshll.u32 s19, $0x7;
	s24 =	smin.u32 s24, $0x5;
	v5 =	vsel vm4, v6, v5  }
0x21a: {  	s31 =	sadd.s32 s30, s6;
	s24 =	smul.u32 $0x500, s24;
	s23 =	simm.s32 $0x0;
	[tilespmem:v12+s17+$0x0] =	vst.idx.msk $0x1f, v5  }
0x21b: {  	[hbm4b:s31+s23] =	stream.linear.scatter [tilespmem:s17], [sflag:$0x3], $0x200, $0x38;
	[tilespmem:$0x19400] =	vst v63  }
0x21c: {  	_ =	swait.ge [sflag:s8], $0x200  }
0x21d: {  	s24 =	sshrl.u32 s24, $0x2;
	[sflag:s8] =	ssyncset.done $0x0  }
0x21e: {  	s24 =	sadd.s32 $0x6A80, s24;
	[sflag:s8] =	ssyncadd.s32 $0xFFFFFE00  }
0x21f: {  	[tilespmem:s13], [sflag:$0x1] =	stream.indirect.gather [hbm4b:s3+s12], $0x40, s24, s12, $0xb8;
	[tilespmem:$0x19400] =	vst v63  }
0x220: {  	_ =	swait.ge [sflag:s16], $0x5000  }
0x221: {  	[sflag:s16] =	ssyncset.done $0x0  }
0x222: {  	s24 =	simm.s32 $0xC2A0;
	[sflag:s16] =	ssyncadd.s32 $0xFFFFB000  }
0x223: {  	v5 =	vld [tilespmem:s24+$0x90]  }
0x224: {  	v13 =	vld [tilespmem:s24+$0x10]  }
0x225: {  	v10 =	vld [tilespmem:s24+$0x60]  }
0x226: {  	v8 =	vld [tilespmem:s24+$0x70]  }
0x227: {  	v17 =	vld [tilespmem:s24+$0xFFFFFFD0]  }
0x228: {  	v11 =	vld [tilespmem:s24+$0x20]  }
0x229: {  	v18 =	vld [tilespmem:s24+$0xFFFFFF90]  }
0x22a: {  	v19 =	vld [tilespmem:s24+$0xFFFFFFC0]  }
0x22b: {  	v9 =	vld [tilespmem:s24+$0xFFFFFFE0]  }
0x22c: {  	v20 =	vld [tilespmem:s24+$0xFFFFFF80]  }
0x22d: {  	v15 =	vld [tilespmem:s24+$0xFFFFFFA0]  }
0x22e: {  	v6 =	vld [tilespmem:s21+$0x0]  }
0x22f: {  	v16 =	vld [tilespmem:s24+$0xFFFFFF60]  }
0x230: {  	v7 =	vld [tilespmem:s21+$0xFFFFFFF0]  }
0x231: {  	v14 =	vld [tilespmem:s21+$0xFFFFFFD0]  }
0x232: {  	v21 =	vld [tilespmem:s24+$0xFFFFFF70]  }
0x233: {  	s26 =	smov.u32 s21;
	s25 =	simm.s32 $0x1;
	v12 =	vld [tilespmem:s21+$0xFFFFFFE0];
	v5 =	vmul.f32 v5, v6  }
.LBB2_13:
0x234: {  	p0 =	sne.s32 s25, $0x3F;
	v22 =	vld [tilespmem:s24+$0xFFFFFFB0];
	v17 =	vmul.f32 v17, v6;
	v13 =	vmul.f32 v13, v6  }
0x235: {  	v18 =	vmul.f32 v18, v6;
	v19 =	vmul.f32 v19, v7;
	v23 =	vld [tilespmem:s24+$0xFFFFFFF0]  }
0x236: {  	v20 =	vmul.f32 v20, v7;
	v24 =	vld [tilespmem:s24+$0x30];
	v10 =	vmul.f32 v10, v14  }
0x237: {  	v15 =	vmul.f32 v15, v14;
	v11 =	vmul.f32 v11, v14;
	v25 =	vld [tilespmem:s24+$0x0]  }
0x238: {  	v16 =	vmul.f32 v16, v14;
	v21 =	vmul.f32 v21, v12;
	v26 =	vld [tilespmem:s24+$0x40]  }
0x239: {  	v8 =	vmul.f32 v8, v12;
	v22 =	vmul.f32 v22, v12;
	v27 =	vld [tilespmem:s24+$0x80]  }
0x23a: {  	v9 =	vmul.f32 v9, v14;
	v16 =	vadd.f32 v21, v16;
	v14 =	vmul.f32 v23, v12;
	v21 =	vld [tilespmem:s24+$0x50]  }
0x23b: {  	v8 =	vadd.f32 v8, v10;
	v15 =	vadd.f32 v22, v15;
	v12 =	vmul.f32 v24, v12  }
0x23c: {  	v10 =	vadd.f32 v20, v16;
	v9 =	vadd.f32 v14, v9;
	v14 =	vmul.f32 v25, v7  }
0x23d: {  	v15 =	vadd.f32 v19, v15;
	v11 =	vadd.f32 v12, v11;
	v12 =	vmul.f32 v26, v7  }
0x23e: {  	v10 =	vadd.f32 v18, v10;
	v9 =	vadd.f32 v14, v9;
	v7 =	vmul.f32 v27, v7  }
0x23f: {  	v14 =	vadd.f32 v17, v15;
	v11 =	vadd.f32 v12, v11;
	v6 =	vmul.f32 v21, v6  }
0x240: {  	v12 =	vperm.xlane v10, v1;
	v9 =	vadd.f32 v13, v9;
	v7 =	vadd.f32 v7, v8  }
0x241: {  	v8 =	vperm.xlane v14, v1;
	v6 =	vadd.f32 v6, v11  }
0x242: {  	v10 =	vadd.f32 v10, v12;
	v11 =	vperm.xlane v9, v1;
	v5 =	vadd.f32 v5, v7  }
0x243: {  	v7 =	vadd.f32 v14, v8;
	v8 =	vperm.xlane v6, v1  }
0x244: {  	v12 =	vperm.xlane v10, v2;
	v9 =	vadd.f32 v9, v11;
	v11 =	vperm.xlane v5, v1  }
0x245: {  	v13 =	vperm.xlane v7, v2;
	v6 =	vadd.f32 v6, v8  }
0x246: {  	v8 =	vadd.f32 v10, v12;
	v10 =	vperm.xlane v9, v2;
	v5 =	vadd.f32 v5, v11  }
0x247: {  	v7 =	vadd.f32 v7, v13;
	v11 =	vperm.xlane v6, v2  }
0x248: {  	v12 =	vperm.xlane v8, v3;
	v9 =	vadd.f32 v9, v10;
	v10 =	vperm.xlane v5, v2  }
0x249: {  	v13 =	vperm.xlane v7, v3;
	v6 =	vadd.f32 v6, v11  }
0x24a: {  	v8 =	vadd.f32 v8, v12;
	v11 =	vperm.xlane v9, v3;
	v5 =	vadd.f32 v5, v10  }
0x24b: {  	v7 =	vadd.f32 v7, v13;
	v10 =	vperm.xlane v6, v3  }
0x24c: {  	v12 =	vperm.xlane v8, v4;
	v9 =	vadd.f32 v9, v11;
	v11 =	vperm.xlane v5, v3  }
0x24d: {  	v13 =	vperm.xlane v7, v4;
	v6 =	vadd.f32 v6, v10  }
0x24e: {  	s28 =	sshll.u32 s23, $0x3;
	s23 =	smov.u32 s25;
	v8 =	vadd.f32 v8, v12;
	v10 =	vperm.xlane v9, v4;
	v5 =	vadd.f32 v5, v11  }
0x24f: {  	v12 =	vadd.s32 s28, v0;
	v7 =	vadd.f32 v7, v13;
	v11 =	vperm.xlane v6, v4  }
0x250: {  	v8 =	vnsel vm0, $0x0, v8;
	v9 =	vadd.f32 v9, v10;
	v10 =	vperm.xlane v5, v4  }
0x251: {  	v7 =	vsel vm1, v8, v7;
	v6 =	vadd.f32 v6, v11  }
0x252: {  	v7 =	vsel vm2, v7, v9;
	v5 =	vadd.f32 v5, v10  }
0x253: {  	v6 =	vsel vm3, v7, v6  }
0x254: {  	v5 =	vsel vm4, v6, v5  }
0x255: {  	s24 =	sadd.s32 $0x140, s24;
	[tilespmem:v12+s17+$0x0] =	vst.idx.msk $0x1f, v5  }
0x256: {  	v5 =	vld [tilespmem:s24+$0x90]  }
0x257: {  	v13 =	vld [tilespmem:s24+$0x10]  }
0x258: {  	v10 =	vld [tilespmem:s24+$0x60]  }
0x259: {  	v8 =	vld [tilespmem:s24+$0x70]  }
0x25a: {  	v17 =	vld [tilespmem:s24+$0xFFFFFFD0]  }
0x25b: {  	v11 =	vld [tilespmem:s24+$0x20]  }
0x25c: {  	v18 =	vld [tilespmem:s24+$0xFFFFFF90]  }
0x25d: {  	v19 =	vld [tilespmem:s24+$0xFFFFFFC0]  }
0x25e: {  	v9 =	vld [tilespmem:s24+$0xFFFFFFE0]  }
0x25f: {  	v20 =	vld [tilespmem:s24+$0xFFFFFF80]  }
0x260: {  	s26 =	sadd.s32 $0x40, s26;
	v15 =	vld [tilespmem:s24+$0xFFFFFFA0]  }
0x261: {  	v6 =	vld [tilespmem:s26+$0x0]  }
.Ltmp5:
0x262: {  	v16 =	vld [tilespmem:s24+$0xFFFFFF60];
	(pc) =	sbr.rel @p0 .LBB2_13-.Ltmp5, $4  }
0x263: {  	v7 =	vld [tilespmem:s26+$0xFFFFFFF0]  }
0x264: {  	v14 =	vld [tilespmem:s26+$0xFFFFFFD0]  }
0x265: {  	v21 =	vld [tilespmem:s24+$0xFFFFFF70]  }
0x266: {  	s25 =	sadd.s32 $0x1, s25;
	v12 =	vld [tilespmem:s26+$0xFFFFFFE0];
	v5 =	vmul.f32 v5, v6  }
0x267: {  	v22 =	vld [tilespmem:s24+$0xFFFFFFB0];
	v17 =	vmul.f32 v17, v6;
	v13 =	vmul.f32 v13, v6  }
0x268: {  	v18 =	vmul.f32 v18, v6;
	v23 =	vld [tilespmem:s24+$0xFFFFFFF0];
	v19 =	vmul.f32 v19, v7  }
0x269: {  	v24 =	vld [tilespmem:s24+$0x30];
	v20 =	vmul.f32 v20, v7;
	v10 =	vmul.f32 v10, v14  }
0x26a: {  	v25 =	vld [tilespmem:s24+$0x0];
	v15 =	vmul.f32 v15, v14;
	v11 =	vmul.f32 v11, v14  }
0x26b: {  	v26 =	vld [tilespmem:s24+$0x40];
	v16 =	vmul.f32 v16, v14;
	v21 =	vmul.f32 v21, v12  }
0x26c: {  	v27 =	vld [tilespmem:s24+$0x80];
	v8 =	vmul.f32 v8, v12;
	v22 =	vmul.f32 v22, v12  }
0x26d: {  	v41 =	vld [tilespmem:s24+$0x50];
	v9 =	vmul.f32 v9, v14;
	v40 =	vmul.f32 v23, v12;
	v16 =	vadd.f32 v21, v16  }
0x26e: {  	v42 =	vmul.f32 v24, v12;
	v8 =	vadd.f32 v8, v10;
	v15 =	vadd.f32 v22, v15  }
0x26f: {  	v44 =	vmul.f32 v25, v7;
	v9 =	vadd.f32 v40, v9;
	v43 =	vadd.f32 v20, v16  }
0x270: {  	v45 =	vmul.f32 v26, v7;
	v11 =	vadd.f32 v42, v11;
	v15 =	vadd.f32 v19, v15  }
0x271: {  	v7 =	vmul.f32 v27, v7;
	v9 =	vadd.f32 v44, v9;
	v10 =	vadd.f32 v18, v43  }
0x272: {  	v6 =	vmul.f32 v41, v6;
	v11 =	vadd.f32 v45, v11;
	v46 =	vadd.f32 v17, v15  }
0x273: {  	v7 =	vadd.f32 v7, v8;
	v9 =	vadd.f32 v13, v9;
	v47 =	vperm.xlane v10, v1  }
0x274: {  	v6 =	vadd.f32 v6, v11;
	v48 =	vperm.xlane v46, v1  }
0x275: {  	v5 =	vadd.f32 v5, v7;
	v49 =	vperm.xlane v9, v1;
	v10 =	vadd.f32 v10, v47  }
0x276: {  	v50 =	vperm.xlane v6, v1;
	v7 =	vadd.f32 v46, v48  }
0x277: {  	v51 =	vperm.xlane v5, v1;
	v9 =	vadd.f32 v9, v49;
	v12 =	vperm.xlane v10, v2  }
0x278: {  	v6 =	vadd.f32 v6, v50;
	v52 =	vperm.xlane v7, v2  }
0x279: {  	v5 =	vadd.f32 v5, v51;
	v54 =	vperm.xlane v9, v2;
	v53 =	vadd.f32 v10, v12  }
0x27a: {  	v55 =	vperm.xlane v6, v2;
	v7 =	vadd.f32 v7, v52  }
0x27b: {  	v56 =	vperm.xlane v5, v2;
	v9 =	vadd.f32 v9, v54;
	v12 =	vperm.xlane v53, v3  }
0x27c: {  	v6 =	vadd.f32 v6, v55;
	v13 =	vperm.xlane v7, v3  }
0x27d: {  	v5 =	vadd.f32 v5, v56;
	v57 =	vperm.xlane v9, v3;
	v8 =	vadd.f32 v53, v12  }
0x27e: {  	v58 =	vperm.xlane v6, v3;
	v7 =	vadd.f32 v7, v13  }
0x27f: {  	v59 =	vperm.xlane v5, v3;
	v9 =	vadd.f32 v9, v57;
	v12 =	vperm.xlane v8, v4  }
0x280: {  	v6 =	vadd.f32 v6, v58;
	v13 =	vperm.xlane v7, v4  }
0x281: {  	s23 =	sshll.u32 s23, $0x3;
	v5 =	vadd.f32 v5, v59;
	v60 =	vperm.xlane v9, v4;
	v8 =	vadd.f32 v8, v12  }
0x282: {  	v62 =	vadd.s32 s23, v0;
	v61 =	vperm.xlane v6, v4;
	v7 =	vadd.f32 v7, v13  }
0x283: {  	v63 =	vperm.xlane v5, v4;
	v9 =	vadd.f32 v9, v60;
	v8 =	vnsel vm0, $0x0, v8  }
0x284: {  	v6 =	vadd.f32 v6, v61;
	v7 =	vsel vm1, v8, v7  }
0x285: {  	v5 =	vadd.f32 v5, v63;
	v7 =	vsel vm2, v7, v9  }
0x286: {  	s19 =	sadd.s32 $0x1, s19;
	v6 =	vsel vm3, v7, v6  }
0x287: {  	s22 =	sshll.u32 s22, $0x6;
	p0 =	sne.s32 s19, $0x4;
	v5 =	vsel vm4, v6, v5  }
.Ltmp6:
0x288: {  	s22 =	sadd.s32 s22, s6;
	[tilespmem:v62+s17+$0x0] =	vst.idx.msk $0x1f, v5;
	(pc) =	sbr.rel @p0 .LBB2_10-.Ltmp6, $4  }
0x289: {  	[hbm4b:s22+s2] =	stream.linear.scatter [tilespmem:s17], [sflag:$0x3], $0x200, $0x38;
	[tilespmem:$0x19400] =	vst v63  }
0x28a: {  	_ =	swait.ge [sflag:s8], $0x200  }
0x28b: {  	[sflag:s8] =	ssyncset.done $0x0  }
0x28c: {  	s20 =	sadd.s32 $0x2000, s20;
	s21 =	sadd.s32 $0x2000, s21;
	[sflag:s8] =	ssyncadd.s32 $0xFFFFFE00  }
0x28d: {  	s18 =	sadd.s32 $0x1, s18  }
0x28e: {  	p0 =	sne.s32 s18, s7  }
.Ltmp7:
0x28f: {  	_ = 	snop;
	(pc) =	sbr.rel @p0 .LBB2_1-.Ltmp7, $4  }
0x290: {  	_ = 	snop  }
0x291: {  	_ =	swait.ge [sflag:s15], $0x5000  }
0x292: {  	[sflag:s15] =	ssyncset.done $0x0  }
0x293: {  	[sflag:s15] =	ssyncadd.s32 $0xFFFFB000  }
0x294: {  	_ =	sfence.sel $0x180000  }
0x295: {  	[bflag:$0x0] =	sbarrier.arrive $0xFFFF  }
0x296: {  	p0 =	sne.s32 s0, $0x0;
	_ =	strace $0x90000047  }
0x297: {  	s0 =	sadd.s32 @!p0 $0x100000, s1;
	[bflag:$0x2] =	sbarrier.arrive $0xFFFF  }
0x298: {  	[sflag:s0] =	ssyncadd.tile.s32 @!p0 $0x1;
	_ =	shalt  }
.Lfunc_end2:
_tile_overlayer_lowered:
.L_overlay_start_2:
0x299: {  	(tag) =	ssettag $0x2  }
0x29a: {  	s0 =	rddreg [dreg:$0x0];
	s2 =	stileid.u32  }
0x29b: {  	s1 =	rddreg [dreg:$0x1];
	p0 =	sne.s32 s2, $0x0  }
0x29c: {  	s3 =	rddreg [dreg:$0x2];
	[bflag:$0x3] =	sbarrier.arrive $0xFFFF;
	s2 =	simm.s32 @!p0 $0x1C03  }
0x29d: {  	[timem:s3], [sflag:s2] =	dma.local @!p0 [hbm:s0], s1  }
0x29e: {  	s0 =	simm.s32 @!p0 $0x3  }
0x29f: {  	_ =	swait.ge @!p0 [sflag:s0], s1  }
0x2a0: {  	s1 =	ssub.s32 @!p0 $0x0, s1;
	[sflag:s0] =	ssyncset.done @!p0 $0x0  }
0x2a1: {  	[sflag:s0] =	ssyncadd.s32 @!p0 s1  }
0x2a2: {  	[bflag:$0x3] =	sbarrier.arrive $0xFFFF  }
0x2a3: {  	_ =	shalt  }

</sc_bundles>
